<compile_context>
chip_gen: v7x
topology: tpu7x:2x2x1
jax: 0.10.2.dev20260603
libtpu: 0.0.44.dev20260713+nightly
codegen_flags: <defaults>
</compile_context>

<pallas_src>
import jax
import jax.numpy as jnp
from jax import lax
from jax.experimental import pallas as pl
from jax.experimental.pallas import tpu as pltpu
from jax.experimental.pallas import tpu_sc as plsc

_NC = 2
_NS = 16
_NW = _NC * _NS
_C = 8
_K = 4


def _pe_gather(pe_hbm, idx_hbm, out_hbm, idx_v,
               rows0, rows1, rows2, rows3,
               g0, g1, g2, g3, o0, o1, o2, o3):
    n = idx_hbm.shape[0]
    per_w = n // _NW
    nchunk = per_w // _C
    wid = lax.axis_index("s") * _NC + lax.axis_index("c")
    base = wid * per_w
    pltpu.sync_copy(idx_hbm.at[pl.ds(base, per_w)], idx_v)

    rows = (rows0, rows1, rows2, rows3)
    gsem = (g0, g1, g2, g3)
    osem = (o0, o1, o2, o3)

    def gather(c, b):
        pltpu.async_copy(pe_hbm.at[idx_v.at[pl.ds(c * _C, _C)]], rows[b], gsem[b])

    def wait_gather(b):
        pltpu.make_async_copy(
            pe_hbm.at[idx_v.at[pl.ds(0, _C)]], rows[b], gsem[b]).wait()

    def put(i, b):
        pltpu.async_copy(rows[b], out_hbm.at[pl.ds(base + i * _C, _C)], osem[b])

    def wait_put(b):
        pltpu.make_async_copy(
            rows[b], out_hbm.at[pl.ds(base, _C)], osem[b]).wait()

    gather(0, 0)
    gather(1, 1)

    wait_gather(0); put(0, 0); gather(2, 2)
    wait_gather(1); put(1, 1); gather(3, 3)
    wait_gather(2); put(2, 2); wait_put(0); gather(4, 0)
    wait_gather(3); put(3, 3); wait_put(1); gather(5, 1)

    def body(q, carry):
        i0 = 4 * q
        for b in range(_K):
            i = i0 + b
            b2 = (b + 2) % _K
            wait_gather(b)
            put(i, b)
            wait_put(b2)
            gather(i + 2, b2)
        return carry

    lax.fori_loop(1, nchunk // _K - 1, body, 0)

    i0 = nchunk - 4
    wait_gather(0); put(i0 + 0, 0); wait_put(2); gather(i0 + 2, 2)
    wait_gather(1); put(i0 + 1, 1); wait_put(3); gather(i0 + 3, 3)
    wait_gather(2); put(i0 + 2, 2)
    wait_gather(3); put(i0 + 3, 3)

    wait_put(0); wait_put(1); wait_put(2); wait_put(3)


def kernel(pe, frame_idx):
    B, S = frame_idx.shape
    V, D = pe.shape
    flat_idx = frame_idx.reshape(B * S)
    per_w = (B * S) // _NW
    run = pl.kernel(
        _pe_gather,
        out_type=jax.ShapeDtypeStruct((B * S, D), pe.dtype),
        mesh=plsc.VectorSubcoreMesh(core_axis_name="c", subcore_axis_name="s"),
        scratch_types=[
            pltpu.VMEM((per_w,), jnp.int32),
            pltpu.VMEM((_C, D), jnp.float32),
            pltpu.VMEM((_C, D), jnp.float32),
            pltpu.VMEM((_C, D), jnp.float32),
            pltpu.VMEM((_C, D), jnp.float32),
            pltpu.SemaphoreType.DMA,
            pltpu.SemaphoreType.DMA,
            pltpu.SemaphoreType.DMA,
            pltpu.SemaphoreType.DMA,
            pltpu.SemaphoreType.DMA,
            pltpu.SemaphoreType.DMA,
            pltpu.SemaphoreType.DMA,
            pltpu.SemaphoreType.DMA,
        ],
    )
    out = run(pe, flat_idx)
    return out.reshape(B, S, D)

# --- scband reference (transcript-rebuilt; emitter-appended) ---
"""Pipeline reference for scband-temporal-pos-encoding-46488726012488 (READ-ONLY COPY).

The authoritative reference and input builder live on the scoring server;
editing this copy changes nothing except your own understanding.
"""

import math
import jax, jax.numpy as jnp
import numpy as np

D_MODEL = 2048
MAX_LEN = 8192
BATCH = 4
SEQ = 8192


def _build_pe(max_len, d_model):
    position = np.arange(max_len, dtype=np.float32)[:, None]
    div_term = np.exp(np.arange(0, d_model, 2, dtype=np.float32) * (-math.log(10000.0) / d_model))
    pe = np.zeros((max_len, d_model), dtype=np.float32)
    pe[:, 0::2] = np.sin(position * div_term)
    pe[:, 1::2] = np.cos(position * div_term)
    return jnp.asarray(pe)


def setup_inputs(seed: int = 0) -> dict:
    key = jax.random.key(seed)
    pe = _build_pe(MAX_LEN, D_MODEL)
    frame_idx = jax.random.randint(key, (BATCH, SEQ), 0, MAX_LEN, dtype=jnp.int32)
    return {"pe": pe, "frame_idx": frame_idx}


def reference(pe, frame_idx):
    # TemporalPosEncoding.forward: self.pe[frame_idx]
    return jnp.take(pe, frame_idx, axis=0)

if __name__ == "__main__":
    import jax
    _d = setup_inputs()
    print(jax.jit(kernel)(*tuple(_d.values())))

</pallas_src>

<mosaic_0001>
#map = affine_map<(d0, d1) -> (0, 0)>
#map1 = affine_map<(d0, d1) -> (0)>
module attributes {stable_mosaic.version = 14 : i64} {
  func.func @_pe_gather(%arg0: i32, %arg1: i32, %arg2: memref<8192x2048xf32, #tpu.memory_space<hbm>>, %arg3: memref<32768xi32, #tpu.memory_space<hbm>>, %arg4: memref<32768x2048xf32, #tpu.memory_space<hbm>>, %arg5: memref<1024xi32, #tpu.memory_space<vmem>>, %arg6: memref<8x2048xf32, #tpu.memory_space<vmem>>, %arg7: memref<8x2048xf32, #tpu.memory_space<vmem>>, %arg8: memref<8x2048xf32, #tpu.memory_space<vmem>>, %arg9: memref<8x2048xf32, #tpu.memory_space<vmem>>, %arg10: memref<!tpu.dma_semaphore, #tpu.memory_space<semaphore_mem>>, %arg11: memref<!tpu.dma_semaphore, #tpu.memory_space<semaphore_mem>>, %arg12: memref<!tpu.dma_semaphore, #tpu.memory_space<semaphore_mem>>, %arg13: memref<!tpu.dma_semaphore, #tpu.memory_space<semaphore_mem>>, %arg14: memref<!tpu.dma_semaphore, #tpu.memory_space<semaphore_mem>>, %arg15: memref<!tpu.dma_semaphore, #tpu.memory_space<semaphore_mem>>, %arg16: memref<!tpu.dma_semaphore, #tpu.memory_space<semaphore_mem>>, %arg17: memref<!tpu.dma_semaphore, #tpu.memory_space<semaphore_mem>>) attributes {dimension_semantics = [#tpu.dimension_semantics<core_parallel>, #tpu.dimension_semantics<subcore_parallel>], iteration_bounds = array<i64: 2, 16>, scalar_prefetch = 0 : i64, scratch_operands = 13 : i64, tpu.core_type = #tpu.core_type<sc_vector_subcore>, window_params = [{transform_indices = #map}, {transform_indices = #map1}, {transform_indices = #map}]} {
    %mul3A = arith.constant 2 : i32
    %mul3A_0 = arith.muli %arg1, %mul3A : i32
    %add3A = arith.addi %mul3A_0, %arg0 : i32
    %mul3A_1 = arith.constant 1024 : i32
    %mul3A_2 = arith.muli %add3A, %mul3A_1 : i32
    "tpu.region"() ({
      %run_scoped3A = tpu.sem_alloc : memref<!tpu.dma_semaphore, #tpu.memory_space<semaphore_mem>>
      %dma_start3A_166 = tpu.memref_slice %arg3[%mul3A_2] : memref<32768xi32, #tpu.memory_space<hbm>> -> memref<1024xi32, #tpu.memory_space<hbm>>
      %dma_start3A_167 = tpu.memref_slice %arg3[%mul3A_2] : memref<32768xi32, #tpu.memory_space<hbm>> -> memref<1024xi32, #tpu.memory_space<hbm>>
      tpu.enqueue_dma source(%dma_start3A_167 : memref<1024xi32, #tpu.memory_space<hbm>>) target(%arg5 : memref<1024xi32, #tpu.memory_space<vmem>>) target_semaphore(%run_scoped3A : memref<!tpu.dma_semaphore, #tpu.memory_space<semaphore_mem>>)
      %dma_wait3A_168 = tpu.memref_slice %arg3[%mul3A_2] : memref<32768xi32, #tpu.memory_space<hbm>> -> memref<1024xi32, #tpu.memory_space<hbm>>
      %dma_wait3A_169 = tpu.memref_slice %arg3[%mul3A_2] : memref<32768xi32, #tpu.memory_space<hbm>> -> memref<1024xi32, #tpu.memory_space<hbm>>
      tpu.wait_dma2 semaphore(%run_scoped3A : memref<!tpu.dma_semaphore, #tpu.memory_space<semaphore_mem>>) src(%dma_wait3A_169 : memref<1024xi32, #tpu.memory_space<hbm>>) dst(%arg5 : memref<1024xi32, #tpu.memory_space<vmem>>)
      tpu.yield
    }) : () -> ()
    %dma_start3A = arith.constant 0 : i32
    %dma_start3A_3 = tpu.memref_slice %arg5[%dma_start3A] : memref<1024xi32, #tpu.memory_space<vmem>> -> memref<8xi32, #tpu.memory_space<vmem>>
    %dma_start3A_4 = arith.constant 0 : i32
    %dma_start3A_5 = arith.constant 0 : i32
    %dma_start3A_6 = tpu.memref_slice %arg2[%dma_start3A_4, %dma_start3A_5] : memref<8192x2048xf32, #tpu.memory_space<hbm>> -> memref<8192x2048xf32, #tpu.memory_space<hbm>>
    tpu.enqueue_indirect_dma source(%dma_start3A_6 : memref<8192x2048xf32, #tpu.memory_space<hbm>>) target(%arg6 : memref<8x2048xf32, #tpu.memory_space<vmem>>) offsets(%dma_start3A_3 : memref<8xi32, #tpu.memory_space<vmem>>) semaphore(%arg10 : memref<!tpu.dma_semaphore, #tpu.memory_space<semaphore_mem>>)
    %dma_start3A_7 = arith.constant 8 : i32
    %dma_start3A_8 = tpu.memref_slice %arg5[%dma_start3A_7] : memref<1024xi32, #tpu.memory_space<vmem>> -> memref<8xi32, #tpu.memory_space<vmem>>
    %dma_start3A_9 = arith.constant 0 : i32
    %dma_start3A_10 = arith.constant 0 : i32
    %dma_start3A_11 = tpu.memref_slice %arg2[%dma_start3A_9, %dma_start3A_10] : memref<8192x2048xf32, #tpu.memory_space<hbm>> -> memref<8192x2048xf32, #tpu.memory_space<hbm>>
    tpu.enqueue_indirect_dma source(%dma_start3A_11 : memref<8192x2048xf32, #tpu.memory_space<hbm>>) target(%arg7 : memref<8x2048xf32, #tpu.memory_space<vmem>>) offsets(%dma_start3A_8 : memref<8xi32, #tpu.memory_space<vmem>>) semaphore(%arg11 : memref<!tpu.dma_semaphore, #tpu.memory_space<semaphore_mem>>)
    %dma_wait3A = arith.constant 0 : i32
    %dma_wait3A_12 = tpu.memref_slice %arg5[%dma_wait3A] : memref<1024xi32, #tpu.memory_space<vmem>> -> memref<8xi32, #tpu.memory_space<vmem>>
    %dma_wait3A_13 = arith.constant 0 : i32
    %dma_wait3A_14 = arith.constant 0 : i32
    %dma_wait3A_15 = tpu.memref_slice %arg2[%dma_wait3A_13, %dma_wait3A_14] : memref<8192x2048xf32, #tpu.memory_space<hbm>> -> memref<8192x2048xf32, #tpu.memory_space<hbm>>
    tpu.wait_indirect_dma semaphore(%arg10 : memref<!tpu.dma_semaphore, #tpu.memory_space<semaphore_mem>>) src(%dma_wait3A_15 : memref<8192x2048xf32, #tpu.memory_space<hbm>>) dst(%arg6 : memref<8x2048xf32, #tpu.memory_space<vmem>>)
    %add3A_16 = arith.constant 0 : i32
    %add3A_17 = arith.addi %mul3A_2, %add3A_16 : i32
    %dma_start3A_18 = arith.constant 0 : i32
    %dma_start3A_19 = tpu.memref_slice %arg4[%add3A_17, %dma_start3A_18] : memref<32768x2048xf32, #tpu.memory_space<hbm>> -> memref<8x2048xf32, #tpu.memory_space<hbm>>
    %dma_start3A_20 = arith.constant 0 : i32
    %dma_start3A_21 = tpu.memref_slice %arg4[%add3A_17, %dma_start3A_20] : memref<32768x2048xf32, #tpu.memory_space<hbm>> -> memref<8x2048xf32, #tpu.memory_space<hbm>>
    tpu.enqueue_dma source(%arg6 : memref<8x2048xf32, #tpu.memory_space<vmem>>) target(%dma_start3A_21 : memref<8x2048xf32, #tpu.memory_space<hbm>>) target_semaphore(%arg14 : memref<!tpu.dma_semaphore, #tpu.memory_space<semaphore_mem>>)
    %dma_start3A_22 = arith.constant 16 : i32
    %dma_start3A_23 = tpu.memref_slice %arg5[%dma_start3A_22] : memref<1024xi32, #tpu.memory_space<vmem>> -> memref<8xi32, #tpu.memory_space<vmem>>
    %dma_start3A_24 = arith.constant 0 : i32
    %dma_start3A_25 = arith.constant 0 : i32
    %dma_start3A_26 = tpu.memref_slice %arg2[%dma_start3A_24, %dma_start3A_25] : memref<8192x2048xf32, #tpu.memory_space<hbm>> -> memref<8192x2048xf32, #tpu.memory_space<hbm>>
    tpu.enqueue_indirect_dma source(%dma_start3A_26 : memref<8192x2048xf32, #tpu.memory_space<hbm>>) target(%arg8 : memref<8x2048xf32, #tpu.memory_space<vmem>>) offsets(%dma_start3A_23 : memref<8xi32, #tpu.memory_space<vmem>>) semaphore(%arg12 : memref<!tpu.dma_semaphore, #tpu.memory_space<semaphore_mem>>)
    %dma_wait3A_27 = arith.constant 0 : i32
    %dma_wait3A_28 = tpu.memref_slice %arg5[%dma_wait3A_27] : memref<1024xi32, #tpu.memory_space<vmem>> -> memref<8xi32, #tpu.memory_space<vmem>>
    %dma_wait3A_29 = arith.constant 0 : i32
    %dma_wait3A_30 = arith.constant 0 : i32
    %dma_wait3A_31 = tpu.memref_slice %arg2[%dma_wait3A_29, %dma_wait3A_30] : memref<8192x2048xf32, #tpu.memory_space<hbm>> -> memref<8192x2048xf32, #tpu.memory_space<hbm>>
    tpu.wait_indirect_dma semaphore(%arg11 : memref<!tpu.dma_semaphore, #tpu.memory_space<semaphore_mem>>) src(%dma_wait3A_31 : memref<8192x2048xf32, #tpu.memory_space<hbm>>) dst(%arg7 : memref<8x2048xf32, #tpu.memory_space<vmem>>)
    %add3A_32 = arith.constant 8 : i32
    %add3A_33 = arith.addi %mul3A_2, %add3A_32 : i32
    %dma_start3A_34 = arith.constant 0 : i32
    %dma_start3A_35 = tpu.memref_slice %arg4[%add3A_33, %dma_start3A_34] : memref<32768x2048xf32, #tpu.memory_space<hbm>> -> memref<8x2048xf32, #tpu.memory_space<hbm>>
    %dma_start3A_36 = arith.constant 0 : i32
    %dma_start3A_37 = tpu.memref_slice %arg4[%add3A_33, %dma_start3A_36] : memref<32768x2048xf32, #tpu.memory_space<hbm>> -> memref<8x2048xf32, #tpu.memory_space<hbm>>
    tpu.enqueue_dma source(%arg7 : memref<8x2048xf32, #tpu.memory_space<vmem>>) target(%dma_start3A_37 : memref<8x2048xf32, #tpu.memory_space<hbm>>) target_semaphore(%arg15 : memref<!tpu.dma_semaphore, #tpu.memory_space<semaphore_mem>>)
    %dma_start3A_38 = arith.constant 24 : i32
    %dma_start3A_39 = tpu.memref_slice %arg5[%dma_start3A_38] : memref<1024xi32, #tpu.memory_space<vmem>> -> memref<8xi32, #tpu.memory_space<vmem>>
    %dma_start3A_40 = arith.constant 0 : i32
    %dma_start3A_41 = arith.constant 0 : i32
    %dma_start3A_42 = tpu.memref_slice %arg2[%dma_start3A_40, %dma_start3A_41] : memref<8192x2048xf32, #tpu.memory_space<hbm>> -> memref<8192x2048xf32, #tpu.memory_space<hbm>>
    tpu.enqueue_indirect_dma source(%dma_start3A_42 : memref<8192x2048xf32, #tpu.memory_space<hbm>>) target(%arg9 : memref<8x2048xf32, #tpu.memory_space<vmem>>) offsets(%dma_start3A_39 : memref<8xi32, #tpu.memory_space<vmem>>) semaphore(%arg13 : memref<!tpu.dma_semaphore, #tpu.memory_space<semaphore_mem>>)
    %dma_wait3A_43 = arith.constant 0 : i32
    %dma_wait3A_44 = tpu.memref_slice %arg5[%dma_wait3A_43] : memref<1024xi32, #tpu.memory_space<vmem>> -> memref<8xi32, #tpu.memory_space<vmem>>
    %dma_wait3A_45 = arith.constant 0 : i32
    %dma_wait3A_46 = arith.constant 0 : i32
    %dma_wait3A_47 = tpu.memref_slice %arg2[%dma_wait3A_45, %dma_wait3A_46] : memref<8192x2048xf32, #tpu.memory_space<hbm>> -> memref<8192x2048xf32, #tpu.memory_space<hbm>>
    tpu.wait_indirect_dma semaphore(%arg12 : memref<!tpu.dma_semaphore, #tpu.memory_space<semaphore_mem>>) src(%dma_wait3A_47 : memref<8192x2048xf32, #tpu.memory_space<hbm>>) dst(%arg8 : memref<8x2048xf32, #tpu.memory_space<vmem>>)
    %add3A_48 = arith.constant 16 : i32
    %add3A_49 = arith.addi %mul3A_2, %add3A_48 : i32
    %dma_start3A_50 = arith.constant 0 : i32
    %dma_start3A_51 = tpu.memref_slice %arg4[%add3A_49, %dma_start3A_50] : memref<32768x2048xf32, #tpu.memory_space<hbm>> -> memref<8x2048xf32, #tpu.memory_space<hbm>>
    %dma_start3A_52 = arith.constant 0 : i32
    %dma_start3A_53 = tpu.memref_slice %arg4[%add3A_49, %dma_start3A_52] : memref<32768x2048xf32, #tpu.memory_space<hbm>> -> memref<8x2048xf32, #tpu.memory_space<hbm>>
    tpu.enqueue_dma source(%arg8 : memref<8x2048xf32, #tpu.memory_space<vmem>>) target(%dma_start3A_53 : memref<8x2048xf32, #tpu.memory_space<hbm>>) target_semaphore(%arg16 : memref<!tpu.dma_semaphore, #tpu.memory_space<semaphore_mem>>)
    %dma_wait3A_54 = arith.constant 0 : i32
    %dma_wait3A_55 = tpu.memref_slice %arg4[%mul3A_2, %dma_wait3A_54] : memref<32768x2048xf32, #tpu.memory_space<hbm>> -> memref<8x2048xf32, #tpu.memory_space<hbm>>
    %dma_wait3A_56 = arith.constant 0 : i32
    %dma_wait3A_57 = tpu.memref_slice %arg4[%mul3A_2, %dma_wait3A_56] : memref<32768x2048xf32, #tpu.memory_space<hbm>> -> memref<8x2048xf32, #tpu.memory_space<hbm>>
    tpu.wait_dma2 semaphore(%arg14 : memref<!tpu.dma_semaphore, #tpu.memory_space<semaphore_mem>>) src(%arg6 : memref<8x2048xf32, #tpu.memory_space<vmem>>) dst(%dma_wait3A_57 : memref<8x2048xf32, #tpu.memory_space<hbm>>)
    %dma_start3A_58 = arith.constant 32 : i32
    %dma_start3A_59 = tpu.memref_slice %arg5[%dma_start3A_58] : memref<1024xi32, #tpu.memory_space<vmem>> -> memref<8xi32, #tpu.memory_space<vmem>>
    %dma_start3A_60 = arith.constant 0 : i32
    %dma_start3A_61 = arith.constant 0 : i32
    %dma_start3A_62 = tpu.memref_slice %arg2[%dma_start3A_60, %dma_start3A_61] : memref<8192x2048xf32, #tpu.memory_space<hbm>> -> memref<8192x2048xf32, #tpu.memory_space<hbm>>
    tpu.enqueue_indirect_dma source(%dma_start3A_62 : memref<8192x2048xf32, #tpu.memory_space<hbm>>) target(%arg6 : memref<8x2048xf32, #tpu.memory_space<vmem>>) offsets(%dma_start3A_59 : memref<8xi32, #tpu.memory_space<vmem>>) semaphore(%arg10 : memref<!tpu.dma_semaphore, #tpu.memory_space<semaphore_mem>>)
    %dma_wait3A_63 = arith.constant 0 : i32
    %dma_wait3A_64 = tpu.memref_slice %arg5[%dma_wait3A_63] : memref<1024xi32, #tpu.memory_space<vmem>> -> memref<8xi32, #tpu.memory_space<vmem>>
    %dma_wait3A_65 = arith.constant 0 : i32
    %dma_wait3A_66 = arith.constant 0 : i32
    %dma_wait3A_67 = tpu.memref_slice %arg2[%dma_wait3A_65, %dma_wait3A_66] : memref<8192x2048xf32, #tpu.memory_space<hbm>> -> memref<8192x2048xf32, #tpu.memory_space<hbm>>
    tpu.wait_indirect_dma semaphore(%arg13 : memref<!tpu.dma_semaphore, #tpu.memory_space<semaphore_mem>>) src(%dma_wait3A_67 : memref<8192x2048xf32, #tpu.memory_space<hbm>>) dst(%arg9 : memref<8x2048xf32, #tpu.memory_space<vmem>>)
    %add3A_68 = arith.constant 24 : i32
    %add3A_69 = arith.addi %mul3A_2, %add3A_68 : i32
    %dma_start3A_70 = arith.constant 0 : i32
    %dma_start3A_71 = tpu.memref_slice %arg4[%add3A_69, %dma_start3A_70] : memref<32768x2048xf32, #tpu.memory_space<hbm>> -> memref<8x2048xf32, #tpu.memory_space<hbm>>
    %dma_start3A_72 = arith.constant 0 : i32
    %dma_start3A_73 = tpu.memref_slice %arg4[%add3A_69, %dma_start3A_72] : memref<32768x2048xf32, #tpu.memory_space<hbm>> -> memref<8x2048xf32, #tpu.memory_space<hbm>>
    tpu.enqueue_dma source(%arg9 : memref<8x2048xf32, #tpu.memory_space<vmem>>) target(%dma_start3A_73 : memref<8x2048xf32, #tpu.memory_space<hbm>>) target_semaphore(%arg17 : memref<!tpu.dma_semaphore, #tpu.memory_space<semaphore_mem>>)
    %dma_wait3A_74 = arith.constant 0 : i32
    %dma_wait3A_75 = tpu.memref_slice %arg4[%mul3A_2, %dma_wait3A_74] : memref<32768x2048xf32, #tpu.memory_space<hbm>> -> memref<8x2048xf32, #tpu.memory_space<hbm>>
    %dma_wait3A_76 = arith.constant 0 : i32
    %dma_wait3A_77 = tpu.memref_slice %arg4[%mul3A_2, %dma_wait3A_76] : memref<32768x2048xf32, #tpu.memory_space<hbm>> -> memref<8x2048xf32, #tpu.memory_space<hbm>>
    tpu.wait_dma2 semaphore(%arg15 : memref<!tpu.dma_semaphore, #tpu.memory_space<semaphore_mem>>) src(%arg7 : memref<8x2048xf32, #tpu.memory_space<vmem>>) dst(%dma_wait3A_77 : memref<8x2048xf32, #tpu.memory_space<hbm>>)
    %dma_start3A_78 = arith.constant 40 : i32
    %dma_start3A_79 = tpu.memref_slice %arg5[%dma_start3A_78] : memref<1024xi32, #tpu.memory_space<vmem>> -> memref<8xi32, #tpu.memory_space<vmem>>
    %dma_start3A_80 = arith.constant 0 : i32
    %dma_start3A_81 = arith.constant 0 : i32
    %dma_start3A_82 = tpu.memref_slice %arg2[%dma_start3A_80, %dma_start3A_81] : memref<8192x2048xf32, #tpu.memory_space<hbm>> -> memref<8192x2048xf32, #tpu.memory_space<hbm>>
    tpu.enqueue_indirect_dma source(%dma_start3A_82 : memref<8192x2048xf32, #tpu.memory_space<hbm>>) target(%arg7 : memref<8x2048xf32, #tpu.memory_space<vmem>>) offsets(%dma_start3A_79 : memref<8xi32, #tpu.memory_space<vmem>>) semaphore(%arg11 : memref<!tpu.dma_semaphore, #tpu.memory_space<semaphore_mem>>)
    %scan3A = arith.constant 0 : i32
    %scan3A_83 = arith.constant 1 : i32
    %scan3A_84 = arith.constant 30 : i32
    %scan3A_85 = arith.addi %scan3A_83, %scan3A_84 : i32
    %scan3A_86 = arith.constant 1 : i32
    scf.for %scan3A_166 = %scan3A_83 to %scan3A_85 step %scan3A_86  : i32 {
      %mul3A_167 = arith.constant 4 : i32
      %mul3A_168 = arith.muli %mul3A_167, %scan3A_166 : i32
      %add3A_169 = arith.constant 0 : i32
      %add3A_170 = arith.addi %mul3A_168, %add3A_169 : i32
      %dma_wait3A_171 = arith.constant 0 : i32
      %dma_wait3A_172 = tpu.memref_slice %arg5[%dma_wait3A_171] : memref<1024xi32, #tpu.memory_space<vmem>> -> memref<8xi32, #tpu.memory_space<vmem>>
      %dma_wait3A_173 = arith.constant 0 : i32
      %dma_wait3A_174 = arith.constant 0 : i32
      %dma_wait3A_175 = tpu.memref_slice %arg2[%dma_wait3A_173, %dma_wait3A_174] : memref<8192x2048xf32, #tpu.memory_space<hbm>> -> memref<8192x2048xf32, #tpu.memory_space<hbm>>
      tpu.wait_indirect_dma semaphore(%arg10 : memref<!tpu.dma_semaphore, #tpu.memory_space<semaphore_mem>>) src(%dma_wait3A_175 : memref<8192x2048xf32, #tpu.memory_space<hbm>>) dst(%arg6 : memref<8x2048xf32, #tpu.memory_space<vmem>>)
      %mul3A_176 = arith.constant 8 : i32
      %mul3A_177 = arith.muli %add3A_170, %mul3A_176 : i32
      %add3A_178 = arith.addi %mul3A_2, %mul3A_177 : i32
      %dma_start3A_179 = arith.constant 0 : i32
      %dma_start3A_180 = tpu.memref_slice %arg4[%add3A_178, %dma_start3A_179] : memref<32768x2048xf32, #tpu.memory_space<hbm>> -> memref<8x2048xf32, #tpu.memory_space<hbm>>
      %dma_start3A_181 = arith.constant 0 : i32
      %dma_start3A_182 = tpu.memref_slice %arg4[%add3A_178, %dma_start3A_181] : memref<32768x2048xf32, #tpu.memory_space<hbm>> -> memref<8x2048xf32, #tpu.memory_space<hbm>>
      tpu.enqueue_dma source(%arg6 : memref<8x2048xf32, #tpu.memory_space<vmem>>) target(%dma_start3A_182 : memref<8x2048xf32, #tpu.memory_space<hbm>>) target_semaphore(%arg14 : memref<!tpu.dma_semaphore, #tpu.memory_space<semaphore_mem>>)
      %dma_wait3A_183 = arith.constant 0 : i32
      %dma_wait3A_184 = tpu.memref_slice %arg4[%mul3A_2, %dma_wait3A_183] : memref<32768x2048xf32, #tpu.memory_space<hbm>> -> memref<8x2048xf32, #tpu.memory_space<hbm>>
      %dma_wait3A_185 = arith.constant 0 : i32
      %dma_wait3A_186 = tpu.memref_slice %arg4[%mul3A_2, %dma_wait3A_185] : memref<32768x2048xf32, #tpu.memory_space<hbm>> -> memref<8x2048xf32, #tpu.memory_space<hbm>>
      tpu.wait_dma2 semaphore(%arg16 : memref<!tpu.dma_semaphore, #tpu.memory_space<semaphore_mem>>) src(%arg8 : memref<8x2048xf32, #tpu.memory_space<vmem>>) dst(%dma_wait3A_186 : memref<8x2048xf32, #tpu.memory_space<hbm>>)
      %add3A_187 = arith.constant 2 : i32
      %add3A_188 = arith.addi %add3A_170, %add3A_187 : i32
      %mul3A_189 = arith.constant 8 : i32
      %mul3A_190 = arith.muli %add3A_188, %mul3A_189 : i32
      %dma_start3A_191 = tpu.memref_slice %arg5[%mul3A_190] : memref<1024xi32, #tpu.memory_space<vmem>> -> memref<8xi32, #tpu.memory_space<vmem>>
      %dma_start3A_192 = arith.constant 0 : i32
      %dma_start3A_193 = arith.constant 0 : i32
      %dma_start3A_194 = tpu.memref_slice %arg2[%dma_start3A_192, %dma_start3A_193] : memref<8192x2048xf32, #tpu.memory_space<hbm>> -> memref<8192x2048xf32, #tpu.memory_space<hbm>>
      tpu.enqueue_indirect_dma source(%dma_start3A_194 : memref<8192x2048xf32, #tpu.memory_space<hbm>>) target(%arg8 : memref<8x2048xf32, #tpu.memory_space<vmem>>) offsets(%dma_start3A_191 : memref<8xi32, #tpu.memory_space<vmem>>) semaphore(%arg12 : memref<!tpu.dma_semaphore, #tpu.memory_space<semaphore_mem>>)
      %add3A_195 = arith.constant 1 : i32
      %add3A_196 = arith.addi %mul3A_168, %add3A_195 : i32
      %dma_wait3A_197 = arith.constant 0 : i32
      %dma_wait3A_198 = tpu.memref_slice %arg5[%dma_wait3A_197] : memref<1024xi32, #tpu.memory_space<vmem>> -> memref<8xi32, #tpu.memory_space<vmem>>
      %dma_wait3A_199 = arith.constant 0 : i32
      %dma_wait3A_200 = arith.constant 0 : i32
      %dma_wait3A_201 = tpu.memref_slice %arg2[%dma_wait3A_199, %dma_wait3A_200] : memref<8192x2048xf32, #tpu.memory_space<hbm>> -> memref<8192x2048xf32, #tpu.memory_space<hbm>>
      tpu.wait_indirect_dma semaphore(%arg11 : memref<!tpu.dma_semaphore, #tpu.memory_space<semaphore_mem>>) src(%dma_wait3A_201 : memref<8192x2048xf32, #tpu.memory_space<hbm>>) dst(%arg7 : memref<8x2048xf32, #tpu.memory_space<vmem>>)
      %mul3A_202 = arith.constant 8 : i32
      %mul3A_203 = arith.muli %add3A_196, %mul3A_202 : i32
      %add3A_204 = arith.addi %mul3A_2, %mul3A_203 : i32
      %dma_start3A_205 = arith.constant 0 : i32
      %dma_start3A_206 = tpu.memref_slice %arg4[%add3A_204, %dma_start3A_205] : memref<32768x2048xf32, #tpu.memory_space<hbm>> -> memref<8x2048xf32, #tpu.memory_space<hbm>>
      %dma_start3A_207 = arith.constant 0 : i32
      %dma_start3A_208 = tpu.memref_slice %arg4[%add3A_204, %dma_start3A_207] : memref<32768x2048xf32, #tpu.memory_space<hbm>> -> memref<8x2048xf32, #tpu.memory_space<hbm>>
      tpu.enqueue_dma source(%arg7 : memref<8x2048xf32, #tpu.memory_space<vmem>>) target(%dma_start3A_208 : memref<8x2048xf32, #tpu.memory_space<hbm>>) target_semaphore(%arg15 : memref<!tpu.dma_semaphore, #tpu.memory_space<semaphore_mem>>)
      %dma_wait3A_209 = arith.constant 0 : i32
      %dma_wait3A_210 = tpu.memref_slice %arg4[%mul3A_2, %dma_wait3A_209] : memref<32768x2048xf32, #tpu.memory_space<hbm>> -> memref<8x2048xf32, #tpu.memory_space<hbm>>
      %dma_wait3A_211 = arith.constant 0 : i32
      %dma_wait3A_212 = tpu.memref_slice %arg4[%mul3A_2, %dma_wait3A_211] : memref<32768x2048xf32, #tpu.memory_space<hbm>> -> memref<8x2048xf32, #tpu.memory_space<hbm>>
      tpu.wait_dma2 semaphore(%arg17 : memref<!tpu.dma_semaphore, #tpu.memory_space<semaphore_mem>>) src(%arg9 : memref<8x2048xf32, #tpu.memory_space<vmem>>) dst(%dma_wait3A_212 : memref<8x2048xf32, #tpu.memory_space<hbm>>)
      %add3A_213 = arith.constant 2 : i32
      %add3A_214 = arith.addi %add3A_196, %add3A_213 : i32
      %mul3A_215 = arith.constant 8 : i32
      %mul3A_216 = arith.muli %add3A_214, %mul3A_215 : i32
      %dma_start3A_217 = tpu.memref_slice %arg5[%mul3A_216] : memref<1024xi32, #tpu.memory_space<vmem>> -> memref<8xi32, #tpu.memory_space<vmem>>
      %dma_start3A_218 = arith.constant 0 : i32
      %dma_start3A_219 = arith.constant 0 : i32
      %dma_start3A_220 = tpu.memref_slice %arg2[%dma_start3A_218, %dma_start3A_219] : memref<8192x2048xf32, #tpu.memory_space<hbm>> -> memref<8192x2048xf32, #tpu.memory_space<hbm>>
      tpu.enqueue_indirect_dma source(%dma_start3A_220 : memref<8192x2048xf32, #tpu.memory_space<hbm>>) target(%arg9 : memref<8x2048xf32, #tpu.memory_space<vmem>>) offsets(%dma_start3A_217 : memref<8xi32, #tpu.memory_space<vmem>>) semaphore(%arg13 : memref<!tpu.dma_semaphore, #tpu.memory_space<semaphore_mem>>)
      %add3A_221 = arith.constant 2 : i32
      %add3A_222 = arith.addi %mul3A_168, %add3A_221 : i32
      %dma_wait3A_223 = arith.constant 0 : i32
      %dma_wait3A_224 = tpu.memref_slice %arg5[%dma_wait3A_223] : memref<1024xi32, #tpu.memory_space<vmem>> -> memref<8xi32, #tpu.memory_space<vmem>>
      %dma_wait3A_225 = arith.constant 0 : i32
      %dma_wait3A_226 = arith.constant 0 : i32
      %dma_wait3A_227 = tpu.memref_slice %arg2[%dma_wait3A_225, %dma_wait3A_226] : memref<8192x2048xf32, #tpu.memory_space<hbm>> -> memref<8192x2048xf32, #tpu.memory_space<hbm>>
      tpu.wait_indirect_dma semaphore(%arg12 : memref<!tpu.dma_semaphore, #tpu.memory_space<semaphore_mem>>) src(%dma_wait3A_227 : memref<8192x2048xf32, #tpu.memory_space<hbm>>) dst(%arg8 : memref<8x2048xf32, #tpu.memory_space<vmem>>)
      %mul3A_228 = arith.constant 8 : i32
      %mul3A_229 = arith.muli %add3A_222, %mul3A_228 : i32
      %add3A_230 = arith.addi %mul3A_2, %mul3A_229 : i32
      %dma_start3A_231 = arith.constant 0 : i32
      %dma_start3A_232 = tpu.memref_slice %arg4[%add3A_230, %dma_start3A_231] : memref<32768x2048xf32, #tpu.memory_space<hbm>> -> memref<8x2048xf32, #tpu.memory_space<hbm>>
      %dma_start3A_233 = arith.constant 0 : i32
      %dma_start3A_234 = tpu.memref_slice %arg4[%add3A_230, %dma_start3A_233] : memref<32768x2048xf32, #tpu.memory_space<hbm>> -> memref<8x2048xf32, #tpu.memory_space<hbm>>
      tpu.enqueue_dma source(%arg8 : memref<8x2048xf32, #tpu.memory_space<vmem>>) target(%dma_start3A_234 : memref<8x2048xf32, #tpu.memory_space<hbm>>) target_semaphore(%arg16 : memref<!tpu.dma_semaphore, #tpu.memory_space<semaphore_mem>>)
      %dma_wait3A_235 = arith.constant 0 : i32
      %dma_wait3A_236 = tpu.memref_slice %arg4[%mul3A_2, %dma_wait3A_235] : memref<32768x2048xf32, #tpu.memory_space<hbm>> -> memref<8x2048xf32, #tpu.memory_space<hbm>>
      %dma_wait3A_237 = arith.constant 0 : i32
      %dma_wait3A_238 = tpu.memref_slice %arg4[%mul3A_2, %dma_wait3A_237] : memref<32768x2048xf32, #tpu.memory_space<hbm>> -> memref<8x2048xf32, #tpu.memory_space<hbm>>
      tpu.wait_dma2 semaphore(%arg14 : memref<!tpu.dma_semaphore, #tpu.memory_space<semaphore_mem>>) src(%arg6 : memref<8x2048xf32, #tpu.memory_space<vmem>>) dst(%dma_wait3A_238 : memref<8x2048xf32, #tpu.memory_space<hbm>>)
      %add3A_239 = arith.constant 2 : i32
      %add3A_240 = arith.addi %add3A_222, %add3A_239 : i32
      %mul3A_241 = arith.constant 8 : i32
      %mul3A_242 = arith.muli %add3A_240, %mul3A_241 : i32
      %dma_start3A_243 = tpu.memref_slice %arg5[%mul3A_242] : memref<1024xi32, #tpu.memory_space<vmem>> -> memref<8xi32, #tpu.memory_space<vmem>>
      %dma_start3A_244 = arith.constant 0 : i32
      %dma_start3A_245 = arith.constant 0 : i32
      %dma_start3A_246 = tpu.memref_slice %arg2[%dma_start3A_244, %dma_start3A_245] : memref<8192x2048xf32, #tpu.memory_space<hbm>> -> memref<8192x2048xf32, #tpu.memory_space<hbm>>
      tpu.enqueue_indirect_dma source(%dma_start3A_246 : memref<8192x2048xf32, #tpu.memory_space<hbm>>) target(%arg6 : memref<8x2048xf32, #tpu.memory_space<vmem>>) offsets(%dma_start3A_243 : memref<8xi32, #tpu.memory_space<vmem>>) semaphore(%arg10 : memref<!tpu.dma_semaphore, #tpu.memory_space<semaphore_mem>>)
      %add3A_247 = arith.constant 3 : i32
      %add3A_248 = arith.addi %mul3A_168, %add3A_247 : i32
      %dma_wait3A_249 = arith.constant 0 : i32
      %dma_wait3A_250 = tpu.memref_slice %arg5[%dma_wait3A_249] : memref<1024xi32, #tpu.memory_space<vmem>> -> memref<8xi32, #tpu.memory_space<vmem>>
      %dma_wait3A_251 = arith.constant 0 : i32
      %dma_wait3A_252 = arith.constant 0 : i32
      %dma_wait3A_253 = tpu.memref_slice %arg2[%dma_wait3A_251, %dma_wait3A_252] : memref<8192x2048xf32, #tpu.memory_space<hbm>> -> memref<8192x2048xf32, #tpu.memory_space<hbm>>
      tpu.wait_indirect_dma semaphore(%arg13 : memref<!tpu.dma_semaphore, #tpu.memory_space<semaphore_mem>>) src(%dma_wait3A_253 : memref<8192x2048xf32, #tpu.memory_space<hbm>>) dst(%arg9 : memref<8x2048xf32, #tpu.memory_space<vmem>>)
      %mul3A_254 = arith.constant 8 : i32
      %mul3A_255 = arith.muli %add3A_248, %mul3A_254 : i32
      %add3A_256 = arith.addi %mul3A_2, %mul3A_255 : i32
      %dma_start3A_257 = arith.constant 0 : i32
      %dma_start3A_258 = tpu.memref_slice %arg4[%add3A_256, %dma_start3A_257] : memref<32768x2048xf32, #tpu.memory_space<hbm>> -> memref<8x2048xf32, #tpu.memory_space<hbm>>
      %dma_start3A_259 = arith.constant 0 : i32
      %dma_start3A_260 = tpu.memref_slice %arg4[%add3A_256, %dma_start3A_259] : memref<32768x2048xf32, #tpu.memory_space<hbm>> -> memref<8x2048xf32, #tpu.memory_space<hbm>>
      tpu.enqueue_dma source(%arg9 : memref<8x2048xf32, #tpu.memory_space<vmem>>) target(%dma_start3A_260 : memref<8x2048xf32, #tpu.memory_space<hbm>>) target_semaphore(%arg17 : memref<!tpu.dma_semaphore, #tpu.memory_space<semaphore_mem>>)
      %dma_wait3A_261 = arith.constant 0 : i32
      %dma_wait3A_262 = tpu.memref_slice %arg4[%mul3A_2, %dma_wait3A_261] : memref<32768x2048xf32, #tpu.memory_space<hbm>> -> memref<8x2048xf32, #tpu.memory_space<hbm>>
      %dma_wait3A_263 = arith.constant 0 : i32
      %dma_wait3A_264 = tpu.memref_slice %arg4[%mul3A_2, %dma_wait3A_263] : memref<32768x2048xf32, #tpu.memory_space<hbm>> -> memref<8x2048xf32, #tpu.memory_space<hbm>>
      tpu.wait_dma2 semaphore(%arg15 : memref<!tpu.dma_semaphore, #tpu.memory_space<semaphore_mem>>) src(%arg7 : memref<8x2048xf32, #tpu.memory_space<vmem>>) dst(%dma_wait3A_264 : memref<8x2048xf32, #tpu.memory_space<hbm>>)
      %add3A_265 = arith.constant 2 : i32
      %add3A_266 = arith.addi %add3A_248, %add3A_265 : i32
      %mul3A_267 = arith.constant 8 : i32
      %mul3A_268 = arith.muli %add3A_266, %mul3A_267 : i32
      %dma_start3A_269 = tpu.memref_slice %arg5[%mul3A_268] : memref<1024xi32, #tpu.memory_space<vmem>> -> memref<8xi32, #tpu.memory_space<vmem>>
      %dma_start3A_270 = arith.constant 0 : i32
      %dma_start3A_271 = arith.constant 0 : i32
      %dma_start3A_272 = tpu.memref_slice %arg2[%dma_start3A_270, %dma_start3A_271] : memref<8192x2048xf32, #tpu.memory_space<hbm>> -> memref<8192x2048xf32, #tpu.memory_space<hbm>>
      tpu.enqueue_indirect_dma source(%dma_start3A_272 : memref<8192x2048xf32, #tpu.memory_space<hbm>>) target(%arg7 : memref<8x2048xf32, #tpu.memory_space<vmem>>) offsets(%dma_start3A_269 : memref<8xi32, #tpu.memory_space<vmem>>) semaphore(%arg11 : memref<!tpu.dma_semaphore, #tpu.memory_space<semaphore_mem>>)
    }
    %scan3A_87 = arith.constant 30 : i32
    %dma_wait3A_88 = arith.constant 0 : i32
    %dma_wait3A_89 = tpu.memref_slice %arg5[%dma_wait3A_88] : memref<1024xi32, #tpu.memory_space<vmem>> -> memref<8xi32, #tpu.memory_space<vmem>>
    %dma_wait3A_90 = arith.constant 0 : i32
    %dma_wait3A_91 = arith.constant 0 : i32
    %dma_wait3A_92 = tpu.memref_slice %arg2[%dma_wait3A_90, %dma_wait3A_91] : memref<8192x2048xf32, #tpu.memory_space<hbm>> -> memref<8192x2048xf32, #tpu.memory_space<hbm>>
    tpu.wait_indirect_dma semaphore(%arg10 : memref<!tpu.dma_semaphore, #tpu.memory_space<semaphore_mem>>) src(%dma_wait3A_92 : memref<8192x2048xf32, #tpu.memory_space<hbm>>) dst(%arg6 : memref<8x2048xf32, #tpu.memory_space<vmem>>)
    %add3A_93 = arith.constant 992 : i32
    %add3A_94 = arith.addi %mul3A_2, %add3A_93 : i32
    %dma_start3A_95 = arith.constant 0 : i32
    %dma_start3A_96 = tpu.memref_slice %arg4[%add3A_94, %dma_start3A_95] : memref<32768x2048xf32, #tpu.memory_space<hbm>> -> memref<8x2048xf32, #tpu.memory_space<hbm>>
    %dma_start3A_97 = arith.constant 0 : i32
    %dma_start3A_98 = tpu.memref_slice %arg4[%add3A_94, %dma_start3A_97] : memref<32768x2048xf32, #tpu.memory_space<hbm>> -> memref<8x2048xf32, #tpu.memory_space<hbm>>
    tpu.enqueue_dma source(%arg6 : memref<8x2048xf32, #tpu.memory_space<vmem>>) target(%dma_start3A_98 : memref<8x2048xf32, #tpu.memory_space<hbm>>) target_semaphore(%arg14 : memref<!tpu.dma_semaphore, #tpu.memory_space<semaphore_mem>>)
    %dma_wait3A_99 = arith.constant 0 : i32
    %dma_wait3A_100 = tpu.memref_slice %arg4[%mul3A_2, %dma_wait3A_99] : memref<32768x2048xf32, #tpu.memory_space<hbm>> -> memref<8x2048xf32, #tpu.memory_space<hbm>>
    %dma_wait3A_101 = arith.constant 0 : i32
    %dma_wait3A_102 = tpu.memref_slice %arg4[%mul3A_2, %dma_wait3A_101] : memref<32768x2048xf32, #tpu.memory_space<hbm>> -> memref<8x2048xf32, #tpu.memory_space<hbm>>
    tpu.wait_dma2 semaphore(%arg16 : memref<!tpu.dma_semaphore, #tpu.memory_space<semaphore_mem>>) src(%arg8 : memref<8x2048xf32, #tpu.memory_space<vmem>>) dst(%dma_wait3A_102 : memref<8x2048xf32, #tpu.memory_space<hbm>>)
    %dma_start3A_103 = arith.constant 1008 : i32
    %dma_start3A_104 = tpu.memref_slice %arg5[%dma_start3A_103] : memref<1024xi32, #tpu.memory_space<vmem>> -> memref<8xi32, #tpu.memory_space<vmem>>
    %dma_start3A_105 = arith.constant 0 : i32
    %dma_start3A_106 = arith.constant 0 : i32
    %dma_start3A_107 = tpu.memref_slice %arg2[%dma_start3A_105, %dma_start3A_106] : memref<8192x2048xf32, #tpu.memory_space<hbm>> -> memref<8192x2048xf32, #tpu.memory_space<hbm>>
    tpu.enqueue_indirect_dma source(%dma_start3A_107 : memref<8192x2048xf32, #tpu.memory_space<hbm>>) target(%arg8 : memref<8x2048xf32, #tpu.memory_space<vmem>>) offsets(%dma_start3A_104 : memref<8xi32, #tpu.memory_space<vmem>>) semaphore(%arg12 : memref<!tpu.dma_semaphore, #tpu.memory_space<semaphore_mem>>)
    %dma_wait3A_108 = arith.constant 0 : i32
    %dma_wait3A_109 = tpu.memref_slice %arg5[%dma_wait3A_108] : memref<1024xi32, #tpu.memory_space<vmem>> -> memref<8xi32, #tpu.memory_space<vmem>>
    %dma_wait3A_110 = arith.constant 0 : i32
    %dma_wait3A_111 = arith.constant 0 : i32
    %dma_wait3A_112 = tpu.memref_slice %arg2[%dma_wait3A_110, %dma_wait3A_111] : memref<8192x2048xf32, #tpu.memory_space<hbm>> -> memref<8192x2048xf32, #tpu.memory_space<hbm>>
    tpu.wait_indirect_dma semaphore(%arg11 : memref<!tpu.dma_semaphore, #tpu.memory_space<semaphore_mem>>) src(%dma_wait3A_112 : memref<8192x2048xf32, #tpu.memory_space<hbm>>) dst(%arg7 : memref<8x2048xf32, #tpu.memory_space<vmem>>)
    %add3A_113 = arith.constant 1000 : i32
    %add3A_114 = arith.addi %mul3A_2, %add3A_113 : i32
    %dma_start3A_115 = arith.constant 0 : i32
    %dma_start3A_116 = tpu.memref_slice %arg4[%add3A_114, %dma_start3A_115] : memref<32768x2048xf32, #tpu.memory_space<hbm>> -> memref<8x2048xf32, #tpu.memory_space<hbm>>
    %dma_start3A_117 = arith.constant 0 : i32
    %dma_start3A_118 = tpu.memref_slice %arg4[%add3A_114, %dma_start3A_117] : memref<32768x2048xf32, #tpu.memory_space<hbm>> -> memref<8x2048xf32, #tpu.memory_space<hbm>>
    tpu.enqueue_dma source(%arg7 : memref<8x2048xf32, #tpu.memory_space<vmem>>) target(%dma_start3A_118 : memref<8x2048xf32, #tpu.memory_space<hbm>>) target_semaphore(%arg15 : memref<!tpu.dma_semaphore, #tpu.memory_space<semaphore_mem>>)
    %dma_wait3A_119 = arith.constant 0 : i32
    %dma_wait3A_120 = tpu.memref_slice %arg4[%mul3A_2, %dma_wait3A_119] : memref<32768x2048xf32, #tpu.memory_space<hbm>> -> memref<8x2048xf32, #tpu.memory_space<hbm>>
    %dma_wait3A_121 = arith.constant 0 : i32
    %dma_wait3A_122 = tpu.memref_slice %arg4[%mul3A_2, %dma_wait3A_121] : memref<32768x2048xf32, #tpu.memory_space<hbm>> -> memref<8x2048xf32, #tpu.memory_space<hbm>>
    tpu.wait_dma2 semaphore(%arg17 : memref<!tpu.dma_semaphore, #tpu.memory_space<semaphore_mem>>) src(%arg9 : memref<8x2048xf32, #tpu.memory_space<vmem>>) dst(%dma_wait3A_122 : memref<8x2048xf32, #tpu.memory_space<hbm>>)
    %dma_start3A_123 = arith.constant 1016 : i32
    %dma_start3A_124 = tpu.memref_slice %arg5[%dma_start3A_123] : memref<1024xi32, #tpu.memory_space<vmem>> -> memref<8xi32, #tpu.memory_space<vmem>>
    %dma_start3A_125 = arith.constant 0 : i32
    %dma_start3A_126 = arith.constant 0 : i32
    %dma_start3A_127 = tpu.memref_slice %arg2[%dma_start3A_125, %dma_start3A_126] : memref<8192x2048xf32, #tpu.memory_space<hbm>> -> memref<8192x2048xf32, #tpu.memory_space<hbm>>
    tpu.enqueue_indirect_dma source(%dma_start3A_127 : memref<8192x2048xf32, #tpu.memory_space<hbm>>) target(%arg9 : memref<8x2048xf32, #tpu.memory_space<vmem>>) offsets(%dma_start3A_124 : memref<8xi32, #tpu.memory_space<vmem>>) semaphore(%arg13 : memref<!tpu.dma_semaphore, #tpu.memory_space<semaphore_mem>>)
    %dma_wait3A_128 = arith.constant 0 : i32
    %dma_wait3A_129 = tpu.memref_slice %arg5[%dma_wait3A_128] : memref<1024xi32, #tpu.memory_space<vmem>> -> memref<8xi32, #tpu.memory_space<vmem>>
    %dma_wait3A_130 = arith.constant 0 : i32
    %dma_wait3A_131 = arith.constant 0 : i32
    %dma_wait3A_132 = tpu.memref_slice %arg2[%dma_wait3A_130, %dma_wait3A_131] : memref<8192x2048xf32, #tpu.memory_space<hbm>> -> memref<8192x2048xf32, #tpu.memory_space<hbm>>
    tpu.wait_indirect_dma semaphore(%arg12 : memref<!tpu.dma_semaphore, #tpu.memory_space<semaphore_mem>>) src(%dma_wait3A_132 : memref<8192x2048xf32, #tpu.memory_space<hbm>>) dst(%arg8 : memref<8x2048xf32, #tpu.memory_space<vmem>>)
    %add3A_133 = arith.constant 1008 : i32
    %add3A_134 = arith.addi %mul3A_2, %add3A_133 : i32
    %dma_start3A_135 = arith.constant 0 : i32
    %dma_start3A_136 = tpu.memref_slice %arg4[%add3A_134, %dma_start3A_135] : memref<32768x2048xf32, #tpu.memory_space<hbm>> -> memref<8x2048xf32, #tpu.memory_space<hbm>>
    %dma_start3A_137 = arith.constant 0 : i32
    %dma_start3A_138 = tpu.memref_slice %arg4[%add3A_134, %dma_start3A_137] : memref<32768x2048xf32, #tpu.memory_space<hbm>> -> memref<8x2048xf32, #tpu.memory_space<hbm>>
    tpu.enqueue_dma source(%arg8 : memref<8x2048xf32, #tpu.memory_space<vmem>>) target(%dma_start3A_138 : memref<8x2048xf32, #tpu.memory_space<hbm>>) target_semaphore(%arg16 : memref<!tpu.dma_semaphore, #tpu.memory_space<semaphore_mem>>)
    %dma_wait3A_139 = arith.constant 0 : i32
    %dma_wait3A_140 = tpu.memref_slice %arg5[%dma_wait3A_139] : memref<1024xi32, #tpu.memory_space<vmem>> -> memref<8xi32, #tpu.memory_space<vmem>>
    %dma_wait3A_141 = arith.constant 0 : i32
    %dma_wait3A_142 = arith.constant 0 : i32
    %dma_wait3A_143 = tpu.memref_slice %arg2[%dma_wait3A_141, %dma_wait3A_142] : memref<8192x2048xf32, #tpu.memory_space<hbm>> -> memref<8192x2048xf32, #tpu.memory_space<hbm>>
    tpu.wait_indirect_dma semaphore(%arg13 : memref<!tpu.dma_semaphore, #tpu.memory_space<semaphore_mem>>) src(%dma_wait3A_143 : memref<8192x2048xf32, #tpu.memory_space<hbm>>) dst(%arg9 : memref<8x2048xf32, #tpu.memory_space<vmem>>)
    %add3A_144 = arith.constant 1016 : i32
    %add3A_145 = arith.addi %mul3A_2, %add3A_144 : i32
    %dma_start3A_146 = arith.constant 0 : i32
    %dma_start3A_147 = tpu.memref_slice %arg4[%add3A_145, %dma_start3A_146] : memref<32768x2048xf32, #tpu.memory_space<hbm>> -> memref<8x2048xf32, #tpu.memory_space<hbm>>
    %dma_start3A_148 = arith.constant 0 : i32
    %dma_start3A_149 = tpu.memref_slice %arg4[%add3A_145, %dma_start3A_148] : memref<32768x2048xf32, #tpu.memory_space<hbm>> -> memref<8x2048xf32, #tpu.memory_space<hbm>>
    tpu.enqueue_dma source(%arg9 : memref<8x2048xf32, #tpu.memory_space<vmem>>) target(%dma_start3A_149 : memref<8x2048xf32, #tpu.memory_space<hbm>>) target_semaphore(%arg17 : memref<!tpu.dma_semaphore, #tpu.memory_space<semaphore_mem>>)
    %dma_wait3A_150 = arith.constant 0 : i32
    %dma_wait3A_151 = tpu.memref_slice %arg4[%mul3A_2, %dma_wait3A_150] : memref<32768x2048xf32, #tpu.memory_space<hbm>> -> memref<8x2048xf32, #tpu.memory_space<hbm>>
    %dma_wait3A_152 = arith.constant 0 : i32
    %dma_wait3A_153 = tpu.memref_slice %arg4[%mul3A_2, %dma_wait3A_152] : memref<32768x2048xf32, #tpu.memory_space<hbm>> -> memref<8x2048xf32, #tpu.memory_space<hbm>>
    tpu.wait_dma2 semaphore(%arg14 : memref<!tpu.dma_semaphore, #tpu.memory_space<semaphore_mem>>) src(%arg6 : memref<8x2048xf32, #tpu.memory_space<vmem>>) dst(%dma_wait3A_153 : memref<8x2048xf32, #tpu.memory_space<hbm>>)
    %dma_wait3A_154 = arith.constant 0 : i32
    %dma_wait3A_155 = tpu.memref_slice %arg4[%mul3A_2, %dma_wait3A_154] : memref<32768x2048xf32, #tpu.memory_space<hbm>> -> memref<8x2048xf32, #tpu.memory_space<hbm>>
    %dma_wait3A_156 = arith.constant 0 : i32
    %dma_wait3A_157 = tpu.memref_slice %arg4[%mul3A_2, %dma_wait3A_156] : memref<32768x2048xf32, #tpu.memory_space<hbm>> -> memref<8x2048xf32, #tpu.memory_space<hbm>>
    tpu.wait_dma2 semaphore(%arg15 : memref<!tpu.dma_semaphore, #tpu.memory_space<semaphore_mem>>) src(%arg7 : memref<8x2048xf32, #tpu.memory_space<vmem>>) dst(%dma_wait3A_157 : memref<8x2048xf32, #tpu.memory_space<hbm>>)
    %dma_wait3A_158 = arith.constant 0 : i32
    %dma_wait3A_159 = tpu.memref_slice %arg4[%mul3A_2, %dma_wait3A_158] : memref<32768x2048xf32, #tpu.memory_space<hbm>> -> memref<8x2048xf32, #tpu.memory_space<hbm>>
    %dma_wait3A_160 = arith.constant 0 : i32
    %dma_wait3A_161 = tpu.memref_slice %arg4[%mul3A_2, %dma_wait3A_160] : memref<32768x2048xf32, #tpu.memory_space<hbm>> -> memref<8x2048xf32, #tpu.memory_space<hbm>>
    tpu.wait_dma2 semaphore(%arg16 : memref<!tpu.dma_semaphore, #tpu.memory_space<semaphore_mem>>) src(%arg8 : memref<8x2048xf32, #tpu.memory_space<vmem>>) dst(%dma_wait3A_161 : memref<8x2048xf32, #tpu.memory_space<hbm>>)
    %dma_wait3A_162 = arith.constant 0 : i32
    %dma_wait3A_163 = tpu.memref_slice %arg4[%mul3A_2, %dma_wait3A_162] : memref<32768x2048xf32, #tpu.memory_space<hbm>> -> memref<8x2048xf32, #tpu.memory_space<hbm>>
    %dma_wait3A_164 = arith.constant 0 : i32
    %dma_wait3A_165 = tpu.memref_slice %arg4[%mul3A_2, %dma_wait3A_164] : memref<32768x2048xf32, #tpu.memory_space<hbm>> -> memref<8x2048xf32, #tpu.memory_space<hbm>>
    tpu.wait_dma2 semaphore(%arg17 : memref<!tpu.dma_semaphore, #tpu.memory_space<semaphore_mem>>) src(%arg9 : memref<8x2048xf32, #tpu.memory_space<vmem>>) dst(%dma_wait3A_165 : memref<8x2048xf32, #tpu.memory_space<hbm>>)
    return
  }
}

</mosaic_0001>

<sc_bundles>
// kernel: kernel.3.cloned.1.call-start
scs
__scs_entry_jumppad:
0x0: {  	(pc) =	sbr.rel $0x88, $3  }
0x1: {  	(tag) =	ssettag $0x0;
	lr =	simm.s32 $0x1  }
0x2: {  	[smem:$0x3F9F] =	sst lr;
	_ =	strace $0xD0000000  }
0x3: {  	_ = 	snop  }
0x4: {  	_ = 	snop  }
0x5: {  	_ = 	snop  }
0x6: {  	_ = 	snop  }
0x7: {  	_ = 	snop  }
__scs_overlays_trampoline_lowered:
0x8: {  	[smem:$0x3FAE] =	sst s0  }
0x9: {  	[smem:$0x3FAF] =	sst s1  }
0xa: {  	[smem:$0x3FB0] =	sst s2  }
0xb: {  	[smem:$0x3FB1] =	sst s3  }
0xc: {  	[smem:$0x3FB2] =	sst s4  }
0xd: {  	[smem:$0x3FB3] =	sst s5  }
0xe: {  	[smem:$0x3FB4] =	sst s6  }
0xf: {  	[smem:$0x3FB5] =	sst s7  }
0x10: {  	[smem:$0x3FB6] =	sst s8  }
0x11: {  	[smem:$0x3FB7] =	sst s9;
	s0 =	simm.s32 @!p0 $0x0  }
0x12: {  	s1 =	sld [smem:$0x3F9D];
	s0 =	simm.s32 @p0 $0x1  }
0x13: {  	[smem:$0x3FB8] =	sst s0;
	s0 =	simm.s32 @!p1 $0x0  }
0x14: {  	s2 =	sld [smem:$0x3F9C];
	s0 =	simm.s32 @p1 $0x1  }
0x15: {  	[smem:$0x3FB9] =	sst s0;
	s0 =	simm.s32 @!p2 $0x0  }
0x16: {  	s3 =	sld [smem:$0x3FDB];
	s0 =	simm.s32 @p2 $0x1  }
0x17: {  	s4 =	simm.s32 $0x1BF5;
	[smem:$0x3FBB] =	sst s0  }
0x18: {  	s0 =	sld [smem:$0x3F9E];
	_ =	swait.ge [sflag:s4], $0x0  }
0x19: {  	s7 =	sld [smem:$0x3F9F]  }
0x1a: {  	s8 =	sadd.s32 $0xFFFFE003, lr  }
0x1b: {  	s9 =	sadd.s32 $0xFFFFFEF7, lr;
	s5 =	simm.s32 $0xFFFFFFFF;
	p2 =	slt.u32 s8, $0xFFFFF086  }
0x1c: {  	p1 =	slt.u32 s9, $0xF7A;
	s5 =	simm.s32 @!p2 $0x0  }
0x1d: {  	s5 =	simm.s32 @p1 $0x1;
	p0 =	seq.s32 s7, s2  }
0x1e: {  	s7 =	smul.u32 @!p0 $0xF7A, s2;
	p2 =	seq.s32 @!p0 s5, $0x0  }
0x1f: {  	s9 =	smul.u32 $0xF7A, s1;
	s8 =	simm.s32 @!p0 $0x1BF5;
	p2 =	por !p2, p0  }
0x20: {  	[sflag:s8] =	ssyncset.s32 @!p0 $0xFFFFF086;
	s6 =	sadd.s32 @!p0 s3, s7;
	s7 =	simm.s32 @!p0 $0x108  }
0x21: {  	s3 =	sadd.s32 s3, s9;
	s6 =	sadd.s32 @!p0 $0x88, s6;
	s7 =	simm.s32 @p2 $0x1082  }
0x22: {  	[simem:s7], [sflag:s8] =	dma.local @!p0 [hbm:s6], $0xF7A  }
0x23: {  	s9 =	sor.u32 $0xD0000000, s2;
	s6 =	simm.s32 $0x108;
	_ =	swait.ge @!p0 [sflag:s8], $0x0  }
0x24: {  	s3 =	sadd.s32 $0x88, s3;
	s6 =	simm.s32 @!p1 $0x1082;
	[sflag:s4] =	ssyncset.s32 $0xFFFFF086  }
0x25: {  	[simem:s6], [sflag:s4] =	dma.local [hbm:s3], $0xF7A  }
0x26: {  	[smem:$0x3F9F] =	sst s1;
	(tag) =	ssettag s2;
	_ =	strace s9  }
0x27: {  	s1 =	sld [smem:$0x3FAF]  }
0x28: {  	s2 =	sld [smem:$0x3FB0]  }
0x29: {  	s4 =	sld [smem:$0x3FB2]  }
0x2a: {  	p0 =	seq.s32 s5, $0x0;
	s5 =	sld [smem:$0x3FB3]  }
0x2b: {  	s6 =	sld [smem:$0x3FB4]  }
0x2c: {  	s7 =	sld [smem:$0x3FB5]  }
0x2d: {  	s3 =	simm.s32 $0x108;
	s8 =	sld [smem:$0x3FB6]  }
0x2e: {  	s3 =	simm.s32 @!p0 $0x1082;
	s9 =	sld [smem:$0x3FB7]  }
0x2f: {  	lr =	sadd.s32 s0, s3;
	s0 =	sld [smem:$0x3FAE]  }
0x30: {  	s3 =	sld [smem:$0x3FB1]  }
0x31: {  	[smem:$0x3FBA] =	sst s10  }
0x32: {  	s10 =	sld [smem:$0x3FB8];
	_ =	sdelay $0x3  }
0x33: {  	p0 =	seq.s32 s10, $0x1;
	s10 =	sld [smem:$0x3FBA];
	_ =	sdelay $0x3  }
0x34: {  	[smem:$0x3FBA] =	sst s10  }
0x35: {  	s10 =	sld [smem:$0x3FB9];
	_ =	sdelay $0x3  }
0x36: {  	p1 =	seq.s32 s10, $0x1;
	s10 =	sld [smem:$0x3FBA];
	_ =	sdelay $0x3  }
0x37: {  	[smem:$0x3FBA] =	sst s10  }
0x38: {  	s10 =	sld [smem:$0x3FBB]  }
0x39: {  	_ = 	snop;
	(pc) =	sbr.ind lr, $3  }
0x3a: {  	_ = 	snop  }
0x3b: {  	_ = 	snop  }
0x3c: {  	p2 =	seq.s32 s10, $0x1;
	s10 =	sld [smem:$0x3FBA]  }
0x3d: {  	_ =	shalt  }
0x3e: {  	_ =	shalt  }
0x3f: {  	_ =	shalt  }
0x40: {  	_ =	shalt  }
0x41: {  	_ =	shalt  }
0x42: {  	_ =	shalt  }
0x43: {  	_ =	shalt  }
0x44: {  	_ =	shalt  }
0x45: {  	_ =	shalt  }
0x46: {  	_ =	shalt  }
0x47: {  	_ =	shalt  }
0x48: {  	_ =	shalt  }
0x49: {  	_ =	shalt  }
0x4a: {  	_ =	shalt  }
0x4b: {  	_ =	shalt  }
0x4c: {  	_ =	shalt  }
0x4d: {  	_ =	shalt  }
0x4e: {  	_ =	shalt  }
0x4f: {  	_ =	shalt  }
0x50: {  	_ =	shalt  }
0x51: {  	_ =	shalt  }
0x52: {  	_ =	shalt  }
0x53: {  	_ =	shalt  }
0x54: {  	_ =	shalt  }
0x55: {  	_ =	shalt  }
0x56: {  	_ =	shalt  }
0x57: {  	_ =	shalt  }
0x58: {  	_ =	shalt  }
0x59: {  	_ =	shalt  }
0x5a: {  	_ =	shalt  }
0x5b: {  	_ =	shalt  }
0x5c: {  	_ =	shalt  }
0x5d: {  	_ =	shalt  }
0x5e: {  	_ =	shalt  }
0x5f: {  	_ =	shalt  }
0x60: {  	_ =	shalt  }
0x61: {  	_ =	shalt  }
0x62: {  	_ =	shalt  }
0x63: {  	_ =	shalt  }
0x64: {  	_ =	shalt  }
0x65: {  	_ =	shalt  }
0x66: {  	_ =	shalt  }
0x67: {  	_ =	shalt  }
0x68: {  	_ =	shalt  }
0x69: {  	_ =	shalt  }
0x6a: {  	_ =	shalt  }
0x6b: {  	_ =	shalt  }
0x6c: {  	_ =	shalt  }
0x6d: {  	_ =	shalt  }
0x6e: {  	_ =	shalt  }
0x6f: {  	_ =	shalt  }
0x70: {  	_ =	shalt  }
0x71: {  	_ =	shalt  }
0x72: {  	_ =	shalt  }
0x73: {  	_ =	shalt  }
0x74: {  	_ =	shalt  }
0x75: {  	_ =	shalt  }
0x76: {  	_ =	shalt  }
0x77: {  	_ =	shalt  }
0x78: {  	_ =	shalt  }
0x79: {  	_ =	shalt  }
0x7a: {  	_ =	shalt  }
0x7b: {  	_ =	shalt  }
0x7c: {  	_ =	shalt  }
0x7d: {  	_ =	shalt  }
0x7e: {  	_ =	shalt  }
0x7f: {  	_ =	shalt  }
0x80: {  	_ =	shalt  }
0x81: {  	_ =	shalt  }
0x82: {  	_ =	shalt  }
0x83: {  	_ =	shalt  }
0x84: {  	_ =	shalt  }
0x85: {  	_ =	shalt  }
0x86: {  	_ =	shalt  }
0x87: {  	_ =	shalt  }
.Lfunc_end0:
.L_simem_size_0:
called_computation_lowered:
.L_overlay_start_0:
0x88: {  	s2 =	sld [smem:$0x3FD9]  }
0x89: {  	s3 =	sld [smem:$0x3FFE];
	_ =	sdelay $0x1  }
0x8a: {  	s1 =	srdreg.scid  }
0x8b: {  	s0 =	sand.u32 $0x1, s1  }
0x8c: {  	s17 =	sshll.u32 s0, $0xA;
	s2 =	sadd.s32 s3, s2  }
0x8d: {  	s2 =	sadd.s32 s2, s17  }
0x8e: {  	[smem:$0x3FC6] =	sst s2  }
0x8f: {  	_ = 	snop  }
0x90: {  	s2 =	sld [smem:$0x3FC9]  }
0x91: {  	s18 =	sld [smem:$0x3FD0];
	(tm) =	ssettm $0x1  }
0x92: {  	s4 =	sld [smem:$0x3FFB];
	_ =	sdelay $0x3  }
0x93: {  	_ =	strace s4  }
0x94: {  	s4 =	sld [smem:$0x3FFC];
	_ =	sdelay $0x3  }
0x95: {  	_ =	strace s4  }
0x96: {  	s4 =	sld [smem:$0x3FFD];
	_ =	sdelay $0x3  }
0x97: {  	_ =	strace s4  }
0x98: {  	_ =	strace $0x8FFFFFFF  }
0x99: {  	s19 =	sld [smem:$0x3FDB];
	_ =	sdelay $0x1  }
0x9a: {  	s5 =	simm.s32 $_scs_section_size  }
0x9b: {  	s6 =	simm.s32 $_size__tile_overlayer_lowered;
	s7 =	simm.s32 $_tile_overlayer_lowered  }
0x9c: {  	s22 =	simm.s32 $0x1BFF;
	s21 =	sshll.u32 s7, $0x1;
	s4 =	sadd.s32 s5, s19  }
0x9d: {  	s8 =	simm.s32 $0x0;
	s20 =	sshll.u32 s6, $0x1;
	s6 =	sadd.s32 s21, s4  }
0x9e: {  	[timem:s8], [sflag:s22] =	dma.local [hbm:s6], s20  }
0x9f: {  	_ =	swait.ge [sflag:s22], s20  }
0xa0: {  	s5 =	ssub.s32 $0x0, s20;
	[sflag:s22] =	ssyncset.done $0x0  }
0xa1: {  	[sflag:s22] =	ssyncadd.s32 s5;
	_ =	sdelay $0x1  }
0xa2: {  	s23 =	simm.s32 $0x1B8B  }
0xa3: {  	_ =	swait.ge [sflag:s23], $0x1  }
0xa4: {  	[sflag:s23] =	ssyncset.done $0x0  }
0xa5: {  	s25 =	simm.s32 $0x1B8E;
	s24 =	sld [smem:$0x3FFE];
	[sflag:s23] =	ssyncadd.s32 $0xFFFFFFFF  }
0xa6: {  	s26 =	simm.s32 $execute0_lowered;
	[smem:$0x3FD2] =	sst s25  }
0xa7: {  	s6 =	sshll.u32 s26, $0x1;
	_ =	strace $0x80000046;
	[dreg:$0x1] =	wrdreg $0xFFFFFFFF  }
0xa8: {  	s28 =	simm.s32 $_size_execute0_lowered;
	s4 =	sadd.s32 s4, s6;
	[dreg:$0x0] =	wrdreg $0x0  }
0xa9: {  	s6 =	sshll.u32 s28, $0x1;
	[dreg:$0x2] =	wrdreg s4  }
0xaa: {  	[dreg:$0x3] =	wrdreg s6  }
0xab: {  	[dreg:$0x4] =	wrdreg $0xC0  }
0xac: {  	_ =	task [dreg:s8], $0x5FFFF  }
0xad: {  	[dreg:$0x1] =	wrdreg $0xFFFFFFFF  }
0xae: {  	[dreg:$0x0] =	wrdreg $0x60  }
0xaf: {  	[dreg:$0x2] =	wrdreg s2  }
0xb0: {  	[dreg:$0x3] =	wrdreg s24  }
0xb1: {  	[dreg:$0x4] =	wrdreg s18  }
0xb2: {  	[dreg:$0x5] =	wrdreg $0x9  }
0xb3: {  	_ =	task.clear_ibuf [dreg:s8], $0x6FFFF;
	_ =	strace $0x90000046  }
0xb4: {  	s29 =	simm.s32 $0x9;
	_ =	strace $0x80000048  }
0xb5: {  	_ =	swait.ge [sflag:s29], $0x1  }
0xb6: {  	[sflag:s29] =	ssyncadd.s32 $0xFFFFFFFF  }
0xb7: {  	_ =	strace $0x90000048  }
0xb8: {  	_ =	sfence  }
0xb9: {  	s30 =	sld [smem:$0x0];
	_ =	sdelay $0x2  }
0xba: {  	s31 =	sshll.u32 s1, $0xD;
	s1 =	sshrl.u32 s1, $0x2  }
0xbb: {  	s3 =	sand.u32 $0x4000, s31;
	s1 =	sadd.s32 s1, s30  }
0xbc: {  	s0 =	sor.u32 s3, s0;
	s1 =	sshll.u32 s1, $0x11  }
0xbd: {  	s0 =	sor.u32 s1, s0  }
0xbe: {  	s0 =	sadd.s32 $0x8F2B, s0  }
0xbf: {  	[sflag:s0] =	ssyncadd.remote.s32 $0x1  }
0xc0: {  	_ =	sfence.sel $0xFFFF  }
0xc1: {  	[dreg:$0x0] =	wrdreg $0xFFFFFFFF;
	(pc) =	sbr.abs _section_cstart, $3  }
0xc2: {  	[dreg:$0x1] =	wrdreg $0xFFFFFFFF  }
0xc3: {  	_ =	task.clear_ibuf [dreg:s8], $0x2FFFF;
	_ =	strace $0x9FFFFFFF  }
0xc4: {  	(tm) =	ssettm $0x7FFFFFFF  }
0xc5: {  	_ =	shalt  }
tec
execute0_lowered:
.L_overlay_start_1:
0x0: {  	(tag) =	ssettag $0x1  }
0x1: {  	s1 =	rddreg [dreg:$0x0];
	s0 =	srdreg.scid  }
0x2: {  	s2 =	rddreg [dreg:$0x1];
	s13 =	stileid.u32  }
0x3: {  	s4 =	rddreg [dreg:$0x2];
	s3 =	simm.s32 $0x0;
	s29 =	simm.s32 $0xC00  }
0x4: {  	s28 =	simm.s32 $0x5400;
	s30 =	simm.s32 $0x5C00;
	s31 =	simm.s32 $0x6400  }
0x5: {  	s15 =	simm.s32 $0x3;
	s0 =	sand.u32 $0x1, s0;
	s5 =	sshll.u32 s13, $0xB  }
0x6: {  	[smem:$0x7FF] =	sst s3;
	s7 =	sadd.s32 $0x300, s1;
	s9 =	sadd.s32 $0x500, s1  }
0x7: {  	s11 =	sadd.s32 $0x600, s1;
	s12 =	sadd.s32 $0x700, s1;
	s21 =	sshll.u32 s13, $0x13  }
0x8: {  	s13 =	simm.s32 $0x3C00;
	s6 =	sshll.u32 s0, $0xA;
	s16 =	ssub.s32 $0x2, s0  }
0x9: {  	_ =	strace $0x80000047;
	s0 =	sshll.u32 s0, $0x12;
	s8 =	sor.u32 s6, s5  }
0xa: {  	s17 =	sshrl.u32 s16, $0x1;
	s6 =	sadd.s32 $0x200, s1;
	s18 =	sshll.u32 s8, $0x8  }
0xb: {  	s5 =	sshrl.u32 s8, $0x3;
	s10 =	ssub.s32 s16, s17;
	s14 =	sadd.s32 s4, s18  }
0xc: {  	s2 =	sadd.s32 s5, s2;
	s26 =	smax.u32 s10, $0x1;
	[dreg:$0x6] =	wrdreg s14  }
0xd: {  	s8 =	sadd.s32 $0x400, s1;
	s2 =	sadd.s32 $0x400, s2;
	[dreg:$0xe] =	wrdreg s26  }
0xe: {  	s17 =	simm.s32 $0x1;
	s19 =	sadd.s32 $0x1000, s14;
	[dreg:$0x5] =	wrdreg s2  }
0xf: {  	s16 =	simm.s32 $0x5;
	s20 =	sadd.s32 $0x1800, s14;
	[dreg:$0x8] =	wrdreg s19  }
0x10: {  	s5 =	sadd.s32 $0x100, s1;
	s22 =	sadd.s32 $0x3E000, s14;
	[dreg:$0x9] =	wrdreg s20  }
0x11: {  	s10 =	simm.s32 $0x7;
	s23 =	sadd.s32 $0x3E800, s14;
	[dreg:$0xa] =	wrdreg s22  }
0x12: {  	s18 =	simm.s32 $0x0;
	s24 =	sadd.s32 $0x3F000, s14;
	[dreg:$0xb] =	wrdreg s23  }
0x13: {  	s25 =	sadd.s32 $0x3F800, s14;
	s26 =	simm.s32 $0x2;
	[dreg:$0xc] =	wrdreg s24  }
0x14: {  	s2 =	sadd.s32 $0x800, s14;
	[dreg:$0xd] =	wrdreg s25;
	s24 =	simm.s32 $0x1400  }
0x15: {  	s25 =	simm.s32 $0x1C00;
	s14 =	simm.s32 $0x4C00;
	s19 =	simm.s32 $0x4  }
0x16: {  	v0 =	vlaneseq.u32;
	s20 =	simm.s32 $0x6;
	[dreg:$0x7] =	wrdreg s2;
	s2 =	sadd.s32 s21, s4  }
0x17: {  	v1 =	vshrl.u32 v0, $0x3;
	s4 =	simm.s32 $0x3400;
	s21 =	simm.s32 $0x8;
	s0 =	sadd.s32 s0, s2  }
0x18: {  	vm0 =	vmmov $0xffff;
	v0 =	vand.u32 $0x7, v0;
	v1 =	vmul.u32 $0x8, v1;
	s2 =	simm.s32 $0x2400;
	[dreg:$0x4] =	wrdreg s0;
	s0 =	simm.s32 $0x2C00  }
.LBB2_1:
0x19: {  	[dreg:$0xf] =	wrdreg s18  }
0x1a: {  	s23 =	rddreg [dreg:$0x5];
	s18 =	simm.s32 $0x9  }
0x1b: {  	[tilespmem:s3], [sflag:$0x9] =	stream.linear.gather [hbm4b:s23+s3], $0x400, $0x38;
	[tilespmem:$0x10400] =	vst v63  }
0x1c: {  	_ =	swait.ge [sflag:s18], $0x400  }
0x1d: {  	[sflag:s18] =	ssyncset.done $0x0  }
0x1e: {  	[sflag:s18] =	ssyncadd.s32 $0xFFFFFC00  }
0x1f: {  	v2 =	vld.msk [tilespmem:$0x0], $0xff;
	_ =	sdelay $0x4  }
0x20: {  	v3 =	vshll.u32 v2, $0x4  }
0x21: {  	v2 =	vand.u32 $0x7, v2;
	v3 =	vand.u32 $0xFFFFFF80, v3  }
0x22: {  	v2 =	vor.u32 v2, v3  }
0x23: {  	v2 =	vperm.xlane v2, v0;
	_ =	sdelay $0x1  }
0x24: {  	v2 =	vadd.s32 v1, v2;
	_ =	sdelay $0x3  }
0x25: {  	s22 =	simm.s32 $0x400  }
0x26: {  	[tilespmem:s22], [sflag:$0x1] =	stream.indirect_vreg.gather [hbm4b:s1+s3], $0x80, v2, vm0, $0xb8;
	[tilespmem:$0x10400] =	vst v63  }
0x27: {  	_ = 	snop  }
0x28: {  	[tilespmem:s29], [sflag:$0x1] =	stream.indirect_vreg.gather [hbm4b:s5+s3], $0x80, v2, vm0, $0xb8;
	[tilespmem:$0x10400] =	vst v63  }
0x29: {  	_ = 	snop  }
0x2a: {  	[tilespmem:s24], [sflag:$0x1] =	stream.indirect_vreg.gather [hbm4b:s6+s3], $0x80, v2, vm0, $0xb8;
	[tilespmem:$0x10400] =	vst v63  }
0x2b: {  	_ = 	snop  }
0x2c: {  	[tilespmem:s25], [sflag:$0x1] =	stream.indirect_vreg.gather [hbm4b:s7+s3], $0x80, v2, vm0, $0xb8;
	[tilespmem:$0x10400] =	vst v63  }
0x2d: {  	_ = 	snop  }
0x2e: {  	[tilespmem:s2], [sflag:$0x1] =	stream.indirect_vreg.gather [hbm4b:s8+s3], $0x80, v2, vm0, $0xb8;
	[tilespmem:$0x10400] =	vst v63  }
0x2f: {  	_ = 	snop  }
0x30: {  	[tilespmem:s0], [sflag:$0x1] =	stream.indirect_vreg.gather [hbm4b:s9+s3], $0x80, v2, vm0, $0xb8;
	[tilespmem:$0x10400] =	vst v63  }
0x31: {  	_ = 	snop  }
0x32: {  	[tilespmem:s4], [sflag:$0x1] =	stream.indirect_vreg.gather [hbm4b:s11+s3], $0x80, v2, vm0, $0xb8;
	[tilespmem:$0x10400] =	vst v63  }
0x33: {  	_ = 	snop  }
0x34: {  	[tilespmem:s13], [sflag:$0x1] =	stream.indirect_vreg.gather [hbm4b:s12+s3], $0x80, v2, vm0, $0xb8;
	[tilespmem:$0x10400] =	vst v63  }
0x35: {  	v2 =	vld.msk [tilespmem:$0x8], $0xff;
	_ =	sdelay $0x4  }
0x36: {  	v3 =	vshll.u32 v2, $0x4  }
0x37: {  	v2 =	vand.u32 $0x7, v2;
	v3 =	vand.u32 $0xFFFFFF80, v3  }
0x38: {  	v2 =	vor.u32 v2, v3  }
0x39: {  	v2 =	vperm.xlane v2, v0;
	_ =	sdelay $0x1  }
0x3a: {  	v2 =	vadd.s32 v1, v2;
	_ =	sdelay $0x3  }
0x3b: {  	s23 =	simm.s32 $0x4400  }
0x3c: {  	[tilespmem:s23], [sflag:$0x2] =	stream.indirect_vreg.gather [hbm4b:s1+s3], $0x80, v2, vm0, $0xb8;
	[tilespmem:$0x10400] =	vst v63  }
0x3d: {  	_ = 	snop  }
0x3e: {  	[tilespmem:s14], [sflag:$0x2] =	stream.indirect_vreg.gather [hbm4b:s5+s3], $0x80, v2, vm0, $0xb8;
	[tilespmem:$0x10400] =	vst v63  }
0x3f: {  	_ = 	snop  }
0x40: {  	[tilespmem:s28], [sflag:$0x2] =	stream.indirect_vreg.gather [hbm4b:s6+s3], $0x80, v2, vm0, $0xb8;
	[tilespmem:$0x10400] =	vst v63  }
0x41: {  	_ = 	snop  }
0x42: {  	[tilespmem:s30], [sflag:$0x2] =	stream.indirect_vreg.gather [hbm4b:s7+s3], $0x80, v2, vm0, $0xb8;
	[tilespmem:$0x10400] =	vst v63  }
0x43: {  	_ = 	snop  }
0x44: {  	[tilespmem:s31], [sflag:$0x2] =	stream.indirect_vreg.gather [hbm4b:s8+s3], $0x80, v2, vm0, $0xb8;
	[tilespmem:$0x10400] =	vst v63  }
0x45: {  	s23 =	simm.s32 $0x6C00  }
0x46: {  	[tilespmem:s23], [sflag:$0x2] =	stream.indirect_vreg.gather [hbm4b:s9+s3], $0x80, v2, vm0, $0xb8;
	[tilespmem:$0x10400] =	vst v63  }
0x47: {  	s23 =	simm.s32 $0x7400  }
0x48: {  	[tilespmem:s23], [sflag:$0x2] =	stream.indirect_vreg.gather [hbm4b:s11+s3], $0x80, v2, vm0, $0xb8;
	[tilespmem:$0x10400] =	vst v63  }
0x49: {  	s23 =	simm.s32 $0x7C00  }
0x4a: {  	[tilespmem:s23], [sflag:$0x2] =	stream.indirect_vreg.gather [hbm4b:s12+s3], $0x80, v2, vm0, $0xb8;
	[tilespmem:$0x10400] =	vst v63  }
0x4b: {  	_ =	swait.ge [sflag:s17], $0x4000  }
0x4c: {  	[sflag:s17] =	ssyncset.done $0x0  }
0x4d: {  	s22 =	simm.s32 $0x400;
	s18 =	rddreg [dreg:$0x6];
	[sflag:s17] =	ssyncadd.s32 $0xFFFFC000  }
0x4e: {  	[hbm4b:s18+s3] =	stream.linear.scatter [tilespmem:s22], [sflag:$0x5], $0x4000, $0x38;
	[tilespmem:$0x10400] =	vst v63  }
0x4f: {  	v2 =	vld.msk [tilespmem:$0x10], $0xff;
	_ =	sdelay $0x4  }
0x50: {  	v3 =	vshll.u32 v2, $0x4  }
0x51: {  	v2 =	vand.u32 $0x7, v2;
	v3 =	vand.u32 $0xFFFFFF80, v3  }
0x52: {  	v2 =	vor.u32 v2, v3  }
0x53: {  	v2 =	vperm.xlane v2, v0;
	_ =	sdelay $0x1  }
0x54: {  	v2 =	vadd.s32 v1, v2;
	_ =	sdelay $0x3  }
0x55: {  	s18 =	simm.s32 $0x8400  }
0x56: {  	[tilespmem:s18], [sflag:$0x3] =	stream.indirect_vreg.gather [hbm4b:s1+s3], $0x80, v2, vm0, $0xb8;
	[tilespmem:$0x10400] =	vst v63  }
0x57: {  	s22 =	simm.s32 $0x8C00  }
0x58: {  	[tilespmem:s22], [sflag:$0x3] =	stream.indirect_vreg.gather [hbm4b:s5+s3], $0x80, v2, vm0, $0xb8;
	[tilespmem:$0x10400] =	vst v63  }
0x59: {  	s22 =	simm.s32 $0x9400  }
0x5a: {  	[tilespmem:s22], [sflag:$0x3] =	stream.indirect_vreg.gather [hbm4b:s6+s3], $0x80, v2, vm0, $0xb8;
	[tilespmem:$0x10400] =	vst v63  }
0x5b: {  	s22 =	simm.s32 $0x9C00  }
0x5c: {  	[tilespmem:s22], [sflag:$0x3] =	stream.indirect_vreg.gather [hbm4b:s7+s3], $0x80, v2, vm0, $0xb8;
	[tilespmem:$0x10400] =	vst v63  }
0x5d: {  	s22 =	simm.s32 $0xA400  }
0x5e: {  	[tilespmem:s22], [sflag:$0x3] =	stream.indirect_vreg.gather [hbm4b:s8+s3], $0x80, v2, vm0, $0xb8;
	[tilespmem:$0x10400] =	vst v63  }
0x5f: {  	s22 =	simm.s32 $0xAC00  }
0x60: {  	[tilespmem:s22], [sflag:$0x3] =	stream.indirect_vreg.gather [hbm4b:s9+s3], $0x80, v2, vm0, $0xb8;
	[tilespmem:$0x10400] =	vst v63  }
0x61: {  	s22 =	simm.s32 $0xB400  }
0x62: {  	[tilespmem:s22], [sflag:$0x3] =	stream.indirect_vreg.gather [hbm4b:s11+s3], $0x80, v2, vm0, $0xb8;
	[tilespmem:$0x10400] =	vst v63  }
0x63: {  	s22 =	simm.s32 $0xBC00  }
0x64: {  	[tilespmem:s22], [sflag:$0x3] =	stream.indirect_vreg.gather [hbm4b:s12+s3], $0x80, v2, vm0, $0xb8;
	[tilespmem:$0x10400] =	vst v63  }
0x65: {  	_ =	swait.ge [sflag:s26], $0x4000  }
0x66: {  	[sflag:s26] =	ssyncset.done $0x0  }
0x67: {  	s22 =	simm.s32 $0x4400;
	s23 =	rddreg [dreg:$0x7];
	[sflag:s26] =	ssyncadd.s32 $0xFFFFC000  }
0x68: {  	[hbm4b:s23+s3] =	stream.linear.scatter [tilespmem:s22], [sflag:$0x6], $0x4000, $0x38;
	[tilespmem:$0x10400] =	vst v63  }
0x69: {  	v2 =	vld.msk [tilespmem:$0x18], $0xff;
	_ =	sdelay $0x4  }
0x6a: {  	v3 =	vshll.u32 v2, $0x4  }
0x6b: {  	v2 =	vand.u32 $0x7, v2;
	v3 =	vand.u32 $0xFFFFFF80, v3  }
0x6c: {  	v2 =	vor.u32 v2, v3  }
0x6d: {  	v2 =	vperm.xlane v2, v0;
	_ =	sdelay $0x1  }
0x6e: {  	v2 =	vadd.s32 v1, v2;
	_ =	sdelay $0x3  }
0x6f: {  	s22 =	simm.s32 $0xC400  }
0x70: {  	[tilespmem:s22], [sflag:$0x4] =	stream.indirect_vreg.gather [hbm4b:s1+s3], $0x80, v2, vm0, $0xb8;
	[tilespmem:$0x10400] =	vst v63  }
0x71: {  	s23 =	simm.s32 $0xCC00  }
0x72: {  	[tilespmem:s23], [sflag:$0x4] =	stream.indirect_vreg.gather [hbm4b:s5+s3], $0x80, v2, vm0, $0xb8;
	[tilespmem:$0x10400] =	vst v63  }
0x73: {  	s23 =	simm.s32 $0xD400  }
0x74: {  	[tilespmem:s23], [sflag:$0x4] =	stream.indirect_vreg.gather [hbm4b:s6+s3], $0x80, v2, vm0, $0xb8;
	[tilespmem:$0x10400] =	vst v63  }
0x75: {  	s23 =	simm.s32 $0xDC00  }
0x76: {  	[tilespmem:s23], [sflag:$0x4] =	stream.indirect_vreg.gather [hbm4b:s7+s3], $0x80, v2, vm0, $0xb8;
	[tilespmem:$0x10400] =	vst v63  }
0x77: {  	s23 =	simm.s32 $0xE400  }
0x78: {  	[tilespmem:s23], [sflag:$0x4] =	stream.indirect_vreg.gather [hbm4b:s8+s3], $0x80, v2, vm0, $0xb8;
	[tilespmem:$0x10400] =	vst v63  }
0x79: {  	s23 =	simm.s32 $0xEC00  }
0x7a: {  	[tilespmem:s23], [sflag:$0x4] =	stream.indirect_vreg.gather [hbm4b:s9+s3], $0x80, v2, vm0, $0xb8;
	[tilespmem:$0x10400] =	vst v63  }
0x7b: {  	s23 =	simm.s32 $0xF400  }
0x7c: {  	[tilespmem:s23], [sflag:$0x4] =	stream.indirect_vreg.gather [hbm4b:s11+s3], $0x80, v2, vm0, $0xb8;
	[tilespmem:$0x10400] =	vst v63  }
0x7d: {  	s23 =	simm.s32 $0xFC00  }
0x7e: {  	[tilespmem:s23], [sflag:$0x4] =	stream.indirect_vreg.gather [hbm4b:s12+s3], $0x80, v2, vm0, $0xb8;
	[tilespmem:$0x10400] =	vst v63  }
0x7f: {  	_ =	swait.ge [sflag:s15], $0x4000  }
0x80: {  	[sflag:s15] =	ssyncset.done $0x0  }
0x81: {  	s23 =	rddreg [dreg:$0x8];
	[sflag:s15] =	ssyncadd.s32 $0xFFFFC000  }
0x82: {  	[hbm4b:s23+s3] =	stream.linear.scatter [tilespmem:s18], [sflag:$0x7], $0x4000, $0x38;
	[tilespmem:$0x10400] =	vst v63  }
0x83: {  	_ =	swait.ge [sflag:s16], $0x4000  }
0x84: {  	[sflag:s16] =	ssyncset.done $0x0  }
0x85: {  	[sflag:s16] =	ssyncadd.s32 $0xFFFFC000  }
0x86: {  	v2 =	vld.msk [tilespmem:$0x20], $0xff;
	_ =	sdelay $0x4  }
0x87: {  	v3 =	vshll.u32 v2, $0x4  }
0x88: {  	v2 =	vand.u32 $0x7, v2;
	v3 =	vand.u32 $0xFFFFFF80, v3  }
0x89: {  	v2 =	vor.u32 v2, v3  }
0x8a: {  	v2 =	vperm.xlane v2, v0;
	_ =	sdelay $0x1  }
0x8b: {  	v2 =	vadd.s32 v1, v2;
	_ =	sdelay $0x3  }
0x8c: {  	s23 =	simm.s32 $0x400  }
0x8d: {  	[tilespmem:s23], [sflag:$0x1] =	stream.indirect_vreg.gather [hbm4b:s1+s3], $0x80, v2, vm0, $0xb8;
	[tilespmem:$0x10400] =	vst v63  }
0x8e: {  	_ = 	snop  }
0x8f: {  	[tilespmem:s29], [sflag:$0x1] =	stream.indirect_vreg.gather [hbm4b:s5+s3], $0x80, v2, vm0, $0xb8;
	[tilespmem:$0x10400] =	vst v63  }
0x90: {  	_ = 	snop  }
0x91: {  	[tilespmem:s24], [sflag:$0x1] =	stream.indirect_vreg.gather [hbm4b:s6+s3], $0x80, v2, vm0, $0xb8;
	[tilespmem:$0x10400] =	vst v63  }
0x92: {  	_ = 	snop  }
0x93: {  	[tilespmem:s25], [sflag:$0x1] =	stream.indirect_vreg.gather [hbm4b:s7+s3], $0x80, v2, vm0, $0xb8;
	[tilespmem:$0x10400] =	vst v63  }
0x94: {  	_ = 	snop  }
0x95: {  	[tilespmem:s2], [sflag:$0x1] =	stream.indirect_vreg.gather [hbm4b:s8+s3], $0x80, v2, vm0, $0xb8;
	[tilespmem:$0x10400] =	vst v63  }
0x96: {  	_ = 	snop  }
0x97: {  	[tilespmem:s0], [sflag:$0x1] =	stream.indirect_vreg.gather [hbm4b:s9+s3], $0x80, v2, vm0, $0xb8;
	[tilespmem:$0x10400] =	vst v63  }
0x98: {  	_ = 	snop  }
0x99: {  	[tilespmem:s4], [sflag:$0x1] =	stream.indirect_vreg.gather [hbm4b:s11+s3], $0x80, v2, vm0, $0xb8;
	[tilespmem:$0x10400] =	vst v63  }
0x9a: {  	_ = 	snop  }
0x9b: {  	[tilespmem:s13], [sflag:$0x1] =	stream.indirect_vreg.gather [hbm4b:s12+s3], $0x80, v2, vm0, $0xb8;
	[tilespmem:$0x10400] =	vst v63  }
0x9c: {  	_ =	swait.ge [sflag:s19], $0x4000  }
0x9d: {  	[sflag:s19] =	ssyncset.done $0x0  }
0x9e: {  	s24 =	rddreg [dreg:$0x9];
	[sflag:s19] =	ssyncadd.s32 $0xFFFFC000  }
0x9f: {  	[hbm4b:s24+s3] =	stream.linear.scatter [tilespmem:s22], [sflag:$0x8], $0x4000, $0x38;
	[tilespmem:$0x10400] =	vst v63  }
0xa0: {  	_ =	swait.ge [sflag:s20], $0x4000  }
0xa1: {  	[sflag:s20] =	ssyncset.done $0x0  }
0xa2: {  	[sflag:s20] =	ssyncadd.s32 $0xFFFFC000  }
0xa3: {  	v2 =	vld.msk [tilespmem:$0x28], $0xff;
	_ =	sdelay $0x4  }
0xa4: {  	v3 =	vshll.u32 v2, $0x4  }
0xa5: {  	v2 =	vand.u32 $0x7, v2;
	v3 =	vand.u32 $0xFFFFFF80, v3  }
0xa6: {  	v2 =	vor.u32 v2, v3  }
0xa7: {  	v2 =	vperm.xlane v2, v0;
	_ =	sdelay $0x1  }
0xa8: {  	v2 =	vadd.s32 v1, v2;
	_ =	sdelay $0x3  }
0xa9: {  	s25 =	simm.s32 $0x4400  }
0xaa: {  	[tilespmem:s25], [sflag:$0x2] =	stream.indirect_vreg.gather [hbm4b:s1+s3], $0x80, v2, vm0, $0xb8;
	[tilespmem:$0x10400] =	vst v63  }
0xab: {  	_ = 	snop  }
0xac: {  	[tilespmem:s14], [sflag:$0x2] =	stream.indirect_vreg.gather [hbm4b:s5+s3], $0x80, v2, vm0, $0xb8;
	[tilespmem:$0x10400] =	vst v63  }
0xad: {  	_ = 	snop  }
0xae: {  	[tilespmem:s28], [sflag:$0x2] =	stream.indirect_vreg.gather [hbm4b:s6+s3], $0x80, v2, vm0, $0xb8;
	[tilespmem:$0x10400] =	vst v63  }
0xaf: {  	_ = 	snop  }
0xb0: {  	[tilespmem:s30], [sflag:$0x2] =	stream.indirect_vreg.gather [hbm4b:s7+s3], $0x80, v2, vm0, $0xb8;
	[tilespmem:$0x10400] =	vst v63  }
0xb1: {  	s23 =	simm.s32 $0x48;
	s29 =	simm.s32 $0x7400  }
0xb2: {  	[tilespmem:s31], [sflag:$0x2] =	stream.indirect_vreg.gather [hbm4b:s8+s3], $0x80, v2, vm0, $0xb8;
	[tilespmem:$0x10400] =	vst v63  }
0xb3: {  	s2 =	simm.s32 $0x1C00;
	s4 =	simm.s32 $0x2C00;
	s28 =	simm.s32 $0x6C00  }
0xb4: {  	[tilespmem:s28], [sflag:$0x2] =	stream.indirect_vreg.gather [hbm4b:s9+s3], $0x80, v2, vm0, $0xb8;
	[tilespmem:$0x10400] =	vst v63  }
0xb5: {  	s13 =	simm.s32 $0x3400;
	s24 =	simm.s32 $0x0;
	s22 =	simm.s32 $0x4C00  }
0xb6: {  	[tilespmem:s29], [sflag:$0x2] =	stream.indirect_vreg.gather [hbm4b:s11+s3], $0x80, v2, vm0, $0xb8;
	[tilespmem:$0x10400] =	vst v63  }
0xb7: {  	s14 =	simm.s32 $0x3C00;
	s30 =	simm.s32 $0x6400;
	s31 =	simm.s32 $0x7C00  }
0xb8: {  	[tilespmem:s31], [sflag:$0x2] =	stream.indirect_vreg.gather [hbm4b:s12+s3], $0x80, v2, vm0, $0xb8;
	[tilespmem:$0x10400] =	vst v63  }
.LBB2_2:
0xb9: {  	_ =	swait.ge [sflag:s17], $0x4000  }
0xba: {  	s25 =	rddreg [dreg:$0x4]  }
0xbb: {  	[sflag:s17] =	ssyncset.done $0x0;
	s25 =	sadd.s32 s24, s25  }
0xbc: {  	s18 =	simm.s32 $0x400;
	[sflag:s17] =	ssyncadd.s32 $0xFFFFC000;
	s29 =	sadd.s32 $0x2000, s25  }
0xbd: {  	[hbm4b:s29+s3] =	stream.linear.scatter [tilespmem:s18], [sflag:$0x5], $0x4000, $0x38;
	[tilespmem:$0x10400] =	vst v63  }
0xbe: {  	_ =	swait.ge [sflag:s10], $0x4000  }
0xbf: {  	[sflag:s10] =	ssyncset.done $0x0  }
0xc0: {  	[sflag:s10] =	ssyncadd.s32 $0xFFFFC000  }
0xc1: {  	v2 =	vld.msk [tilespmem:s23+$0xFFFFFFE8], $0xff;
	_ =	sdelay $0x4  }
0xc2: {  	v3 =	vshll.u32 v2, $0x4  }
0xc3: {  	v2 =	vand.u32 $0x7, v2;
	v3 =	vand.u32 $0xFFFFFF80, v3  }
0xc4: {  	v2 =	vor.u32 v2, v3  }
0xc5: {  	v2 =	vperm.xlane v2, v0;
	_ =	sdelay $0x1  }
0xc6: {  	v2 =	vadd.s32 v1, v2;
	_ =	sdelay $0x3  }
0xc7: {  	s31 =	simm.s32 $0x8400  }
0xc8: {  	[tilespmem:s31], [sflag:$0x3] =	stream.indirect_vreg.gather [hbm4b:s1+s3], $0x80, v2, vm0, $0xb8;
	[tilespmem:$0x10400] =	vst v63  }
0xc9: {  	s28 =	simm.s32 $0x8C00  }
0xca: {  	[tilespmem:s28], [sflag:$0x3] =	stream.indirect_vreg.gather [hbm4b:s5+s3], $0x80, v2, vm0, $0xb8;
	[tilespmem:$0x10400] =	vst v63  }
0xcb: {  	s28 =	simm.s32 $0x9400  }
0xcc: {  	[tilespmem:s28], [sflag:$0x3] =	stream.indirect_vreg.gather [hbm4b:s6+s3], $0x80, v2, vm0, $0xb8;
	[tilespmem:$0x10400] =	vst v63  }
0xcd: {  	s28 =	simm.s32 $0x9C00  }
0xce: {  	[tilespmem:s28], [sflag:$0x3] =	stream.indirect_vreg.gather [hbm4b:s7+s3], $0x80, v2, vm0, $0xb8;
	[tilespmem:$0x10400] =	vst v63  }
0xcf: {  	s28 =	simm.s32 $0xA400  }
0xd0: {  	[tilespmem:s28], [sflag:$0x3] =	stream.indirect_vreg.gather [hbm4b:s8+s3], $0x80, v2, vm0, $0xb8;
	[tilespmem:$0x10400] =	vst v63  }
0xd1: {  	s28 =	simm.s32 $0xAC00  }
0xd2: {  	[tilespmem:s28], [sflag:$0x3] =	stream.indirect_vreg.gather [hbm4b:s9+s3], $0x80, v2, vm0, $0xb8;
	[tilespmem:$0x10400] =	vst v63  }
0xd3: {  	s28 =	simm.s32 $0xB400  }
0xd4: {  	[tilespmem:s28], [sflag:$0x3] =	stream.indirect_vreg.gather [hbm4b:s11+s3], $0x80, v2, vm0, $0xb8;
	[tilespmem:$0x10400] =	vst v63  }
0xd5: {  	s28 =	simm.s32 $0xBC00  }
0xd6: {  	[tilespmem:s28], [sflag:$0x3] =	stream.indirect_vreg.gather [hbm4b:s12+s3], $0x80, v2, vm0, $0xb8;
	[tilespmem:$0x10400] =	vst v63  }
0xd7: {  	_ =	swait.ge [sflag:s26], $0x4000  }
0xd8: {  	[sflag:s26] =	ssyncset.done $0x0  }
0xd9: {  	s29 =	sadd.s32 $0x2800, s25;
	s28 =	simm.s32 $0x4400;
	[sflag:s26] =	ssyncadd.s32 $0xFFFFC000  }
0xda: {  	[hbm4b:s29+s3] =	stream.linear.scatter [tilespmem:s28], [sflag:$0x6], $0x4000, $0x38;
	[tilespmem:$0x10400] =	vst v63  }
0xdb: {  	_ =	swait.ge [sflag:s21], $0x4000  }
0xdc: {  	[sflag:s21] =	ssyncset.done $0x0  }
0xdd: {  	[sflag:s21] =	ssyncadd.s32 $0xFFFFC000  }
0xde: {  	v2 =	vld.msk [tilespmem:s23+$0xFFFFFFF0], $0xff;
	_ =	sdelay $0x4  }
0xdf: {  	v3 =	vshll.u32 v2, $0x4  }
0xe0: {  	v2 =	vand.u32 $0x7, v2;
	v3 =	vand.u32 $0xFFFFFF80, v3  }
0xe1: {  	v2 =	vor.u32 v2, v3  }
0xe2: {  	v2 =	vperm.xlane v2, v0;
	_ =	sdelay $0x1  }
0xe3: {  	v2 =	vadd.s32 v1, v2;
	_ =	sdelay $0x3  }
0xe4: {  	s0 =	simm.s32 $0xC400  }
0xe5: {  	[tilespmem:s0], [sflag:$0x4] =	stream.indirect_vreg.gather [hbm4b:s1+s3], $0x80, v2, vm0, $0xb8;
	[tilespmem:$0x10400] =	vst v63  }
0xe6: {  	s29 =	simm.s32 $0xCC00  }
0xe7: {  	[tilespmem:s29], [sflag:$0x4] =	stream.indirect_vreg.gather [hbm4b:s5+s3], $0x80, v2, vm0, $0xb8;
	[tilespmem:$0x10400] =	vst v63  }
0xe8: {  	s29 =	simm.s32 $0xD400  }
0xe9: {  	[tilespmem:s29], [sflag:$0x4] =	stream.indirect_vreg.gather [hbm4b:s6+s3], $0x80, v2, vm0, $0xb8;
	[tilespmem:$0x10400] =	vst v63  }
0xea: {  	s29 =	simm.s32 $0xDC00  }
0xeb: {  	[tilespmem:s29], [sflag:$0x4] =	stream.indirect_vreg.gather [hbm4b:s7+s3], $0x80, v2, vm0, $0xb8;
	[tilespmem:$0x10400] =	vst v63  }
0xec: {  	s29 =	simm.s32 $0xE400  }
0xed: {  	[tilespmem:s29], [sflag:$0x4] =	stream.indirect_vreg.gather [hbm4b:s8+s3], $0x80, v2, vm0, $0xb8;
	[tilespmem:$0x10400] =	vst v63  }
0xee: {  	s29 =	simm.s32 $0xEC00  }
0xef: {  	[tilespmem:s29], [sflag:$0x4] =	stream.indirect_vreg.gather [hbm4b:s9+s3], $0x80, v2, vm0, $0xb8;
	[tilespmem:$0x10400] =	vst v63  }
0xf0: {  	s29 =	simm.s32 $0xF400  }
0xf1: {  	[tilespmem:s29], [sflag:$0x4] =	stream.indirect_vreg.gather [hbm4b:s11+s3], $0x80, v2, vm0, $0xb8;
	[tilespmem:$0x10400] =	vst v63  }
0xf2: {  	s29 =	simm.s32 $0xFC00  }
0xf3: {  	[tilespmem:s29], [sflag:$0x4] =	stream.indirect_vreg.gather [hbm4b:s12+s3], $0x80, v2, vm0, $0xb8;
	[tilespmem:$0x10400] =	vst v63  }
0xf4: {  	_ =	swait.ge [sflag:s15], $0x4000  }
0xf5: {  	[sflag:s15] =	ssyncset.done $0x0  }
0xf6: {  	s29 =	sadd.s32 $0x3000, s25;
	[sflag:s15] =	ssyncadd.s32 $0xFFFFC000  }
0xf7: {  	[hbm4b:s29+s3] =	stream.linear.scatter [tilespmem:s31], [sflag:$0x7], $0x4000, $0x38;
	[tilespmem:$0x10400] =	vst v63  }
0xf8: {  	_ =	swait.ge [sflag:s16], $0x4000  }
0xf9: {  	[sflag:s16] =	ssyncset.done $0x0  }
0xfa: {  	[sflag:s16] =	ssyncadd.s32 $0xFFFFC000  }
0xfb: {  	v2 =	vld.msk [tilespmem:s23+$0xFFFFFFF8], $0xff;
	_ =	sdelay $0x4  }
0xfc: {  	v3 =	vshll.u32 v2, $0x4  }
0xfd: {  	v2 =	vand.u32 $0x7, v2;
	v3 =	vand.u32 $0xFFFFFF80, v3  }
0xfe: {  	v2 =	vor.u32 v2, v3  }
0xff: {  	v2 =	vperm.xlane v2, v0;
	_ =	sdelay $0x1  }
0x100: {  	v2 =	vadd.s32 v1, v2;
	_ =	sdelay $0x4  }
0x101: {  	[tilespmem:s18], [sflag:$0x1] =	stream.indirect_vreg.gather [hbm4b:s1+s3], $0x80, v2, vm0, $0xb8;
	[tilespmem:$0x10400] =	vst v63  }
0x102: {  	s29 =	simm.s32 $0xC00  }
0x103: {  	[tilespmem:s29], [sflag:$0x1] =	stream.indirect_vreg.gather [hbm4b:s5+s3], $0x80, v2, vm0, $0xb8;
	[tilespmem:$0x10400] =	vst v63  }
0x104: {  	s18 =	simm.s32 $0x1400  }
0x105: {  	[tilespmem:s18], [sflag:$0x1] =	stream.indirect_vreg.gather [hbm4b:s6+s3], $0x80, v2, vm0, $0xb8;
	[tilespmem:$0x10400] =	vst v63  }
0x106: {  	_ = 	snop  }
0x107: {  	[tilespmem:s2], [sflag:$0x1] =	stream.indirect_vreg.gather [hbm4b:s7+s3], $0x80, v2, vm0, $0xb8;
	[tilespmem:$0x10400] =	vst v63  }
0x108: {  	s18 =	simm.s32 $0x2400  }
0x109: {  	[tilespmem:s18], [sflag:$0x1] =	stream.indirect_vreg.gather [hbm4b:s8+s3], $0x80, v2, vm0, $0xb8;
	[tilespmem:$0x10400] =	vst v63  }
0x10a: {  	_ = 	snop  }
0x10b: {  	[tilespmem:s4], [sflag:$0x1] =	stream.indirect_vreg.gather [hbm4b:s9+s3], $0x80, v2, vm0, $0xb8;
	[tilespmem:$0x10400] =	vst v63  }
0x10c: {  	_ = 	snop  }
0x10d: {  	[tilespmem:s13], [sflag:$0x1] =	stream.indirect_vreg.gather [hbm4b:s11+s3], $0x80, v2, vm0, $0xb8;
	[tilespmem:$0x10400] =	vst v63  }
0x10e: {  	_ = 	snop  }
0x10f: {  	[tilespmem:s14], [sflag:$0x1] =	stream.indirect_vreg.gather [hbm4b:s12+s3], $0x80, v2, vm0, $0xb8;
	[tilespmem:$0x10400] =	vst v63  }
0x110: {  	_ =	swait.ge [sflag:s19], $0x4000  }
0x111: {  	[sflag:s19] =	ssyncset.done $0x0  }
0x112: {  	s25 =	sadd.s32 $0x3800, s25;
	[sflag:s19] =	ssyncadd.s32 $0xFFFFC000  }
0x113: {  	[hbm4b:s25+s3] =	stream.linear.scatter [tilespmem:s0], [sflag:$0x8], $0x4000, $0x38;
	[tilespmem:$0x10400] =	vst v63  }
0x114: {  	_ =	swait.ge [sflag:s20], $0x4000  }
0x115: {  	[sflag:s20] =	ssyncset.done $0x0  }
0x116: {  	[sflag:s20] =	ssyncadd.s32 $0xFFFFC000  }
0x117: {  	v2 =	vld.msk [tilespmem:s23+$0x0], $0xff;
	_ =	sdelay $0x4  }
0x118: {  	v3 =	vshll.u32 v2, $0x4  }
0x119: {  	v2 =	vand.u32 $0x7, v2;
	v3 =	vand.u32 $0xFFFFFF80, v3  }
0x11a: {  	v2 =	vor.u32 v2, v3  }
0x11b: {  	v2 =	vperm.xlane v2, v0;
	_ =	sdelay $0x1  }
0x11c: {  	v2 =	vadd.s32 v1, v2;
	_ =	sdelay $0x4  }
0x11d: {  	[tilespmem:s28], [sflag:$0x2] =	stream.indirect_vreg.gather [hbm4b:s1+s3], $0x80, v2, vm0, $0xb8;
	[tilespmem:$0x10400] =	vst v63  }
0x11e: {  	_ = 	snop  }
0x11f: {  	[tilespmem:s22], [sflag:$0x2] =	stream.indirect_vreg.gather [hbm4b:s5+s3], $0x80, v2, vm0, $0xb8;
	[tilespmem:$0x10400] =	vst v63  }
0x120: {  	s28 =	simm.s32 $0x5400  }
0x121: {  	[tilespmem:s28], [sflag:$0x2] =	stream.indirect_vreg.gather [hbm4b:s6+s3], $0x80, v2, vm0, $0xb8;
	[tilespmem:$0x10400] =	vst v63  }
0x122: {  	s25 =	simm.s32 $0x5C00  }
0x123: {  	[tilespmem:s25], [sflag:$0x2] =	stream.indirect_vreg.gather [hbm4b:s7+s3], $0x80, v2, vm0, $0xb8;
	[tilespmem:$0x10400] =	vst v63  }
0x124: {  	_ = 	snop  }
0x125: {  	[tilespmem:s30], [sflag:$0x2] =	stream.indirect_vreg.gather [hbm4b:s8+s3], $0x80, v2, vm0, $0xb8;
	[tilespmem:$0x10400] =	vst v63  }
0x126: {  	p0 =	sne.s32 s24, $0x3A000;
	s25 =	simm.s32 $0x6C00  }
0x127: {  	[tilespmem:s25], [sflag:$0x2] =	stream.indirect_vreg.gather [hbm4b:s9+s3], $0x80, v2, vm0, $0xb8;
	[tilespmem:$0x10400] =	vst v63  }
.Ltmp0:
0x128: {  	_ = 	snop;
	(pc) =	sbr.rel @p0 .LBB2_2-.Ltmp0, $4  }
0x129: {  	s24 =	sadd.s32 $0x2000, s24;
	s31 =	simm.s32 $0x400;
	s25 =	simm.s32 $0x7400  }
0x12a: {  	[tilespmem:s25], [sflag:$0x2] =	stream.indirect_vreg.gather [hbm4b:s11+s3], $0x80, v2, vm0, $0xb8;
	[tilespmem:$0x10400] =	vst v63  }
0x12b: {  	s18 =	simm.s32 $0x4400;
	s23 =	sadd.s32 $0x20, s23;
	s25 =	simm.s32 $0x7C00  }
0x12c: {  	[tilespmem:s25], [sflag:$0x2] =	stream.indirect_vreg.gather [hbm4b:s12+s3], $0x80, v2, vm0, $0xb8;
	[tilespmem:$0x10400] =	vst v63  }
0x12d: {  	_ =	swait.ge [sflag:s17], $0x4000  }
0x12e: {  	[sflag:s17] =	ssyncset.done $0x0  }
0x12f: {  	s23 =	rddreg [dreg:$0xa];
	[sflag:s17] =	ssyncadd.s32 $0xFFFFC000  }
0x130: {  	[hbm4b:s23+s3] =	stream.linear.scatter [tilespmem:s31], [sflag:$0x5], $0x4000, $0x38;
	[tilespmem:$0x10400] =	vst v63  }
0x131: {  	_ =	swait.ge [sflag:s10], $0x4000  }
0x132: {  	[sflag:s10] =	ssyncset.done $0x0  }
0x133: {  	[sflag:s10] =	ssyncadd.s32 $0xFFFFC000  }
0x134: {  	v2 =	vld.msk [tilespmem:$0x3F0], $0xff;
	_ =	sdelay $0x4  }
0x135: {  	v3 =	vshll.u32 v2, $0x4  }
0x136: {  	v2 =	vand.u32 $0x7, v2;
	v3 =	vand.u32 $0xFFFFFF80, v3  }
0x137: {  	v2 =	vor.u32 v2, v3  }
0x138: {  	v2 =	vperm.xlane v2, v0;
	_ =	sdelay $0x1  }
0x139: {  	v2 =	vadd.s32 v1, v2;
	_ =	sdelay $0x3  }
0x13a: {  	s0 =	simm.s32 $0x8400  }
0x13b: {  	[tilespmem:s0], [sflag:$0x3] =	stream.indirect_vreg.gather [hbm4b:s1+s3], $0x80, v2, vm0, $0xb8;
	[tilespmem:$0x10400] =	vst v63  }
0x13c: {  	s2 =	simm.s32 $0x8C00  }
0x13d: {  	[tilespmem:s2], [sflag:$0x3] =	stream.indirect_vreg.gather [hbm4b:s5+s3], $0x80, v2, vm0, $0xb8;
	[tilespmem:$0x10400] =	vst v63  }
0x13e: {  	s22 =	simm.s32 $0x9400  }
0x13f: {  	[tilespmem:s22], [sflag:$0x3] =	stream.indirect_vreg.gather [hbm4b:s6+s3], $0x80, v2, vm0, $0xb8;
	[tilespmem:$0x10400] =	vst v63  }
0x140: {  	s23 =	simm.s32 $0x9C00  }
0x141: {  	[tilespmem:s23], [sflag:$0x3] =	stream.indirect_vreg.gather [hbm4b:s7+s3], $0x80, v2, vm0, $0xb8;
	[tilespmem:$0x10400] =	vst v63  }
0x142: {  	s24 =	simm.s32 $0xA400  }
0x143: {  	[tilespmem:s24], [sflag:$0x3] =	stream.indirect_vreg.gather [hbm4b:s8+s3], $0x80, v2, vm0, $0xb8;
	[tilespmem:$0x10400] =	vst v63  }
0x144: {  	s25 =	simm.s32 $0xAC00  }
0x145: {  	[tilespmem:s25], [sflag:$0x3] =	stream.indirect_vreg.gather [hbm4b:s9+s3], $0x80, v2, vm0, $0xb8;
	[tilespmem:$0x10400] =	vst v63  }
0x146: {  	s4 =	simm.s32 $0xB400  }
0x147: {  	[tilespmem:s4], [sflag:$0x3] =	stream.indirect_vreg.gather [hbm4b:s11+s3], $0x80, v2, vm0, $0xb8;
	[tilespmem:$0x10400] =	vst v63  }
0x148: {  	s13 =	simm.s32 $0xBC00  }
0x149: {  	[tilespmem:s13], [sflag:$0x3] =	stream.indirect_vreg.gather [hbm4b:s12+s3], $0x80, v2, vm0, $0xb8;
	[tilespmem:$0x10400] =	vst v63  }
0x14a: {  	_ =	swait.ge [sflag:s26], $0x4000  }
0x14b: {  	[sflag:s26] =	ssyncset.done $0x0  }
0x14c: {  	s14 =	rddreg [dreg:$0xb];
	[sflag:s26] =	ssyncadd.s32 $0xFFFFC000  }
0x14d: {  	[hbm4b:s14+s3] =	stream.linear.scatter [tilespmem:s18], [sflag:$0x6], $0x4000, $0x38;
	[tilespmem:$0x10400] =	vst v63  }
0x14e: {  	_ =	swait.ge [sflag:s21], $0x4000  }
0x14f: {  	[sflag:s21] =	ssyncset.done $0x0  }
0x150: {  	[sflag:s21] =	ssyncadd.s32 $0xFFFFC000  }
0x151: {  	v2 =	vld.msk [tilespmem:$0x3F8], $0xff;
	_ =	sdelay $0x4  }
0x152: {  	v3 =	vshll.u32 v2, $0x4  }
0x153: {  	v2 =	vand.u32 $0x7, v2;
	v3 =	vand.u32 $0xFFFFFF80, v3  }
0x154: {  	v2 =	vor.u32 v2, v3  }
0x155: {  	v2 =	vperm.xlane v2, v0;
	_ =	sdelay $0x1  }
0x156: {  	v2 =	vadd.s32 v1, v2;
	_ =	sdelay $0x3  }
0x157: {  	s2 =	simm.s32 $0xC400  }
0x158: {  	[tilespmem:s2], [sflag:$0x4] =	stream.indirect_vreg.gather [hbm4b:s1+s3], $0x80, v2, vm0, $0xb8;
	[tilespmem:$0x10400] =	vst v63  }
0x159: {  	s4 =	simm.s32 $0xCC00  }
0x15a: {  	[tilespmem:s4], [sflag:$0x4] =	stream.indirect_vreg.gather [hbm4b:s5+s3], $0x80, v2, vm0, $0xb8;
	[tilespmem:$0x10400] =	vst v63  }
0x15b: {  	s22 =	simm.s32 $0xD400  }
0x15c: {  	[tilespmem:s22], [sflag:$0x4] =	stream.indirect_vreg.gather [hbm4b:s6+s3], $0x80, v2, vm0, $0xb8;
	[tilespmem:$0x10400] =	vst v63  }
0x15d: {  	s23 =	simm.s32 $0xDC00  }
0x15e: {  	[tilespmem:s23], [sflag:$0x4] =	stream.indirect_vreg.gather [hbm4b:s7+s3], $0x80, v2, vm0, $0xb8;
	[tilespmem:$0x10400] =	vst v63  }
0x15f: {  	s24 =	simm.s32 $0xE400  }
0x160: {  	[tilespmem:s24], [sflag:$0x4] =	stream.indirect_vreg.gather [hbm4b:s8+s3], $0x80, v2, vm0, $0xb8;
	[tilespmem:$0x10400] =	vst v63  }
0x161: {  	s25 =	simm.s32 $0xEC00  }
0x162: {  	[tilespmem:s25], [sflag:$0x4] =	stream.indirect_vreg.gather [hbm4b:s9+s3], $0x80, v2, vm0, $0xb8;
	[tilespmem:$0x10400] =	vst v63  }
0x163: {  	s13 =	simm.s32 $0xF400  }
0x164: {  	[tilespmem:s13], [sflag:$0x4] =	stream.indirect_vreg.gather [hbm4b:s11+s3], $0x80, v2, vm0, $0xb8;
	[tilespmem:$0x10400] =	vst v63  }
0x165: {  	s14 =	simm.s32 $0xFC00  }
0x166: {  	[tilespmem:s14], [sflag:$0x4] =	stream.indirect_vreg.gather [hbm4b:s12+s3], $0x80, v2, vm0, $0xb8;
	[tilespmem:$0x10400] =	vst v63  }
0x167: {  	_ =	swait.ge [sflag:s15], $0x4000  }
0x168: {  	[sflag:s15] =	ssyncset.done $0x0  }
0x169: {  	s18 =	rddreg [dreg:$0xc];
	[sflag:s15] =	ssyncadd.s32 $0xFFFFC000  }
0x16a: {  	[hbm4b:s18+s3] =	stream.linear.scatter [tilespmem:s0], [sflag:$0x7], $0x4000, $0x38;
	[tilespmem:$0x10400] =	vst v63  }
0x16b: {  	_ =	swait.ge [sflag:s19], $0x4000  }
0x16c: {  	[sflag:s19] =	ssyncset.done $0x0  }
0x16d: {  	s22 =	rddreg [dreg:$0xd];
	[sflag:s19] =	ssyncadd.s32 $0xFFFFC000  }
0x16e: {  	[hbm4b:s22+s3] =	stream.linear.scatter [tilespmem:s2], [sflag:$0x8], $0x4000, $0x38;
	[tilespmem:$0x10400] =	vst v63  }
0x16f: {  	_ =	swait.ge [sflag:s16], $0x4000  }
0x170: {  	[sflag:s16] =	ssyncset.done $0x0  }
0x171: {  	[sflag:s16] =	ssyncadd.s32 $0xFFFFC000  }
0x172: {  	_ =	swait.ge [sflag:s20], $0x4000  }
0x173: {  	[sflag:s20] =	ssyncset.done $0x0  }
0x174: {  	[sflag:s20] =	ssyncadd.s32 $0xFFFFC000  }
0x175: {  	_ =	swait.ge [sflag:s10], $0x4000  }
0x176: {  	[sflag:s10] =	ssyncset.done $0x0  }
0x177: {  	[sflag:s10] =	ssyncadd.s32 $0xFFFFC000  }
0x178: {  	_ =	swait.ge [sflag:s21], $0x4000  }
0x179: {  	s24 =	rddreg [dreg:$0xf]  }
0x17a: {  	s25 =	rddreg [dreg:$0xe];
	s18 =	sadd.s32 $0x1, s24  }
0x17b: {  	p0 =	sne.s32 s18, s25  }
.Ltmp1:
0x17c: {  	_ = 	snop;
	(pc) =	sbr.rel @p0 .LBB2_1-.Ltmp1, $4  }
0x17d: {  	s30 =	simm.s32 $0x5C00;
	s31 =	simm.s32 $0x6400  }
0x17e: {  	s4 =	simm.s32 $0x3400;
	s13 =	simm.s32 $0x3C00;
	s14 =	simm.s32 $0x4C00  }
0x17f: {  	s0 =	simm.s32 $0x2C00;
	s2 =	simm.s32 $0x2400;
	[sflag:s21] =	ssyncset.done $0x0  }
0x180: {  	[sflag:s21] =	ssyncadd.s32 $0xFFFFC000;
	s24 =	simm.s32 $0x1400;
	s25 =	simm.s32 $0x1C00  }
0x181: {  	_ =	sfence.sel $0x180000  }
0x182: {  	[bflag:$0x0] =	sbarrier.arrive $0xFFFF  }
0x183: {  	_ =	strace $0x90000047  }
0x184: {  	s0 =	stileid.u32;
	[bflag:$0x2] =	sbarrier.arrive $0xFFFF  }
0x185: {  	p0 =	sne.s32 s0, $0x0;
	s0 =	rddreg [dreg:$0x3]  }
0x186: {  	s0 =	sadd.s32 @!p0 $0x100000, s0  }
0x187: {  	[sflag:s0] =	ssyncadd.tile.s32 @!p0 $0x1;
	_ =	shalt  }
.Lfunc_end2:
_tile_overlayer_lowered:
.L_overlay_start_2:
0x188: {  	(tag) =	ssettag $0x2  }
0x189: {  	s0 =	rddreg [dreg:$0x0];
	s2 =	stileid.u32  }
0x18a: {  	s1 =	rddreg [dreg:$0x1];
	p0 =	sne.s32 s2, $0x0  }
0x18b: {  	s3 =	rddreg [dreg:$0x2];
	[bflag:$0x3] =	sbarrier.arrive $0xFFFF;
	s2 =	simm.s32 @!p0 $0x1C09  }
0x18c: {  	[timem:s3], [sflag:s2] =	dma.local @!p0 [hbm:s0], s1  }
0x18d: {  	s0 =	simm.s32 @!p0 $0x9  }
0x18e: {  	_ =	swait.ge @!p0 [sflag:s0], s1  }
0x18f: {  	s1 =	ssub.s32 @!p0 $0x0, s1;
	[sflag:s0] =	ssyncset.done @!p0 $0x0  }
0x190: {  	[sflag:s0] =	ssyncadd.s32 @!p0 s1  }
0x191: {  	[bflag:$0x3] =	sbarrier.arrive $0xFFFF  }
0x192: {  	_ =	shalt  }

</sc_bundles>
